<compile_context>
chip_gen: v7x
topology: tpu7x:2x2x1
jax: 0.10.2.dev20260603
libtpu: 0.0.44.dev20260713+nightly
codegen_flags: <defaults>
</compile_context>

<pallas_src>
import functools
import jax
import jax.numpy as jnp
from jax import lax
from jax.experimental import pallas as pl
from jax.experimental.pallas import tpu as pltpu
from jax.experimental.pallas import tpu_sc as plsc


def _x_body(out_alias_ref, x_ref, out_ref):
    out_ref[...] = x_ref[...]


def kernel(x, emb_table):
    seq, batch, d = x.shape
    d_emb = emb_table.shape[1]
    d_out = d + d_emb

    nc, ns = 2, 16
    nw = nc * ns
    rows_per_w = seq // nw
    r = 32
    chunks = rows_per_w // r

    mesh = plsc.VectorSubcoreMesh(
        core_axis_name="c", subcore_axis_name="s", num_cores=nc, num_subcores=ns
    )

    @functools.partial(
        pl.kernel,
        out_type=jax.ShapeDtypeStruct((seq, batch, d_out), jnp.float32),
        mesh=mesh,
        scratch_types=[
            pltpu.VMEM((r, d_emb), jnp.float32),
            pltpu.VMEM((r, d_emb), jnp.float32),
            pltpu.SemaphoreType.DMA,
            pltpu.SemaphoreType.DMA,
            pltpu.SemaphoreType.DMA,
        ],
    )
    def sc_fill(emb_hbm, out_hbm, eb0, eb1, rsem0, rsem1, wsem):
        wid = lax.axis_index("s") * nc + lax.axis_index("c")
        base = wid * rows_per_w
        bufs = (eb0, eb1)
        rsems = (rsem0, rsem1)

        reads = [None] * chunks
        writes = [None] * chunks
        reads[0] = pltpu.async_copy(
            emb_hbm.at[pl.ds(base, r), :], bufs[0], rsems[0]
        )
        for ci in range(chunks):
            if ci >= 1:
                for h in writes[ci - 1]:
                    h.wait()
            if ci + 1 < chunks:
                reads[ci + 1] = pltpu.async_copy(
                    emb_hbm.at[pl.ds(base + (ci + 1) * r, r), :],
                    bufs[(ci + 1) % 2],
                    rsems[(ci + 1) % 2],
                )
            reads[ci].wait()
            r0 = base + ci * r
            writes[ci] = [
                pltpu.async_copy(
                    bufs[ci % 2],
                    out_hbm.at[pl.ds(r0, r), b, pl.ds(d, d_emb)],
                    wsem,
                )
                for b in range(batch)
            ]
        for h in writes[chunks - 1]:
            h.wait()

    out1 = sc_fill(emb_table)

    bs = 512
    grid = (seq // bs,)
    return pl.pallas_call(
        _x_body,
        grid=grid,
        in_specs=[
            pl.BlockSpec(memory_space=pl.ANY),
            pl.BlockSpec((bs, batch, d), lambda i: (i, 0, 0)),
        ],
        out_specs=pl.BlockSpec((bs, batch, d), lambda i: (i, 0, 0)),
        out_shape=jax.ShapeDtypeStruct((seq, batch, d_out), x.dtype),
        input_output_aliases={0: 0},
    )(out1, x)

# --- scband reference (transcript-rebuilt; emitter-appended) ---
"""Pipeline reference for scband-learnable-positional-encoding-cat-40338332844605 (READ-ONLY COPY).

The authoritative reference and input builder live on the scoring server;
editing this copy changes nothing except your own understanding.
"""

import jax, jax.numpy as jnp
import numpy as np

SEQ = 4096
BATCH = 4
D_MODEL = 1024
MAX_LEN = 8192

def setup_inputs(seed: int = 0) -> dict:
    key = jax.random.key(seed)
    k1, k2 = jax.random.split(key)
    x = jax.random.normal(k1, (SEQ, BATCH, D_MODEL), dtype=jnp.float32)
    emb_table = jax.random.normal(k2, (MAX_LEN, D_MODEL), dtype=jnp.float32) * 0.02
    return {"x": x, "emb_table": emb_table}

def reference(x, emb_table):
    # embedding_ids buffer is arange(max_len); take first seq positions
    seq, batch = x.shape[0], x.shape[1]
    embedding_ids = jnp.arange(emb_table.shape[0])[:seq][..., None]  # [seq, 1]
    embeddings = jnp.take(emb_table, embedding_ids, axis=0)          # [seq, 1, d_model]
    embeddings = jnp.tile(embeddings, (1, batch, 1))                 # [seq, batch, d_model]
    return jnp.concatenate([x, embeddings], axis=-1)                 # [seq, batch, d + d_model]

if __name__ == "__main__":
    import jax
    _d = setup_inputs()
    print(jax.jit(kernel)(*tuple(_d.values())))

</pallas_src>

<mosaic_0001>
#map = affine_map<(d0, d1) -> (0, 0)>
#map1 = affine_map<(d0, d1) -> (0, 0, 0)>
module attributes {stable_mosaic.version = 14 : i64} {
  func.func @sc_fill(%arg0: i32, %arg1: i32, %arg2: memref<8192x1024xf32, #tpu.memory_space<hbm>>, %arg3: memref<4096x4x2048xf32, #tpu.memory_space<hbm>>, %arg4: memref<32x1024xf32, #tpu.memory_space<vmem>>, %arg5: memref<32x1024xf32, #tpu.memory_space<vmem>>, %arg6: memref<!tpu.dma_semaphore, #tpu.memory_space<semaphore_mem>>, %arg7: memref<!tpu.dma_semaphore, #tpu.memory_space<semaphore_mem>>, %arg8: memref<!tpu.dma_semaphore, #tpu.memory_space<semaphore_mem>>) attributes {dimension_semantics = [#tpu.dimension_semantics<core_parallel>, #tpu.dimension_semantics<subcore_parallel>], iteration_bounds = array<i64: 2, 16>, scalar_prefetch = 0 : i64, scratch_operands = 5 : i64, tpu.core_type = #tpu.core_type<sc_vector_subcore>, window_params = [{transform_indices = #map}, {transform_indices = #map1}]} {
    %mul3A = arith.constant 2 : i32
    %mul3A_0 = arith.muli %arg1, %mul3A : i32
    %add3A = arith.addi %mul3A_0, %arg0 : i32
    %mul3A_1 = arith.constant 128 : i32
    %mul3A_2 = arith.muli %add3A, %mul3A_1 : i32
    %dma_start3A = arith.constant 0 : i32
    %dma_start3A_3 = tpu.memref_slice %arg2[%mul3A_2, %dma_start3A] : memref<8192x1024xf32, #tpu.memory_space<hbm>> -> memref<32x1024xf32, #tpu.memory_space<hbm>>
    %dma_start3A_4 = arith.constant 0 : i32
    %dma_start3A_5 = tpu.memref_slice %arg2[%mul3A_2, %dma_start3A_4] : memref<8192x1024xf32, #tpu.memory_space<hbm>> -> memref<32x1024xf32, #tpu.memory_space<hbm>>
    tpu.enqueue_dma source(%dma_start3A_5 : memref<32x1024xf32, #tpu.memory_space<hbm>>) target(%arg4 : memref<32x1024xf32, #tpu.memory_space<vmem>>) target_semaphore(%arg6 : memref<!tpu.dma_semaphore, #tpu.memory_space<semaphore_mem>>)
    %add3A_6 = arith.constant 32 : i32
    %add3A_7 = arith.addi %mul3A_2, %add3A_6 : i32
    %dma_start3A_8 = arith.constant 0 : i32
    %dma_start3A_9 = tpu.memref_slice %arg2[%add3A_7, %dma_start3A_8] : memref<8192x1024xf32, #tpu.memory_space<hbm>> -> memref<32x1024xf32, #tpu.memory_space<hbm>>
    %dma_start3A_10 = arith.constant 0 : i32
    %dma_start3A_11 = tpu.memref_slice %arg2[%add3A_7, %dma_start3A_10] : memref<8192x1024xf32, #tpu.memory_space<hbm>> -> memref<32x1024xf32, #tpu.memory_space<hbm>>
    tpu.enqueue_dma source(%dma_start3A_11 : memref<32x1024xf32, #tpu.memory_space<hbm>>) target(%arg5 : memref<32x1024xf32, #tpu.memory_space<vmem>>) target_semaphore(%arg7 : memref<!tpu.dma_semaphore, #tpu.memory_space<semaphore_mem>>)
    %dma_wait3A = arith.constant 0 : i32
    %dma_wait3A_12 = tpu.memref_slice %arg2[%mul3A_2, %dma_wait3A] : memref<8192x1024xf32, #tpu.memory_space<hbm>> -> memref<32x1024xf32, #tpu.memory_space<hbm>>
    %dma_wait3A_13 = arith.constant 0 : i32
    %dma_wait3A_14 = tpu.memref_slice %arg2[%mul3A_2, %dma_wait3A_13] : memref<8192x1024xf32, #tpu.memory_space<hbm>> -> memref<32x1024xf32, #tpu.memory_space<hbm>>
    tpu.wait_dma2 semaphore(%arg6 : memref<!tpu.dma_semaphore, #tpu.memory_space<semaphore_mem>>) src(%dma_wait3A_14 : memref<32x1024xf32, #tpu.memory_space<hbm>>) dst(%arg4 : memref<32x1024xf32, #tpu.memory_space<vmem>>)
    %add3A_15 = arith.constant 0 : i32
    %add3A_16 = arith.addi %mul3A_2, %add3A_15 : i32
    %dma_start3A_17 = arith.constant 0 : i32
    %dma_start3A_18 = arith.constant 1024 : i32
    %dma_start3A_19 = tpu.memref_slice %arg3[%add3A_16, %dma_start3A_17, %dma_start3A_18] : memref<4096x4x2048xf32, #tpu.memory_space<hbm>> -> memref<32x1x1024xf32, #tpu.memory_space<hbm>>
    %dma_start3A_20 = tpu.memref_squeeze %dma_start3A_19 : memref<32x1x1024xf32, #tpu.memory_space<hbm>> -> memref<32x1024xf32, #tpu.memory_space<hbm>>
    %dma_start3A_21 = arith.constant 1024 : i32
    %dma_start3A_22 = tpu.memref_slice %arg3[%add3A_16, %dma_start3A_17, %dma_start3A_21] : memref<4096x4x2048xf32, #tpu.memory_space<hbm>> -> memref<32x1x1024xf32, #tpu.memory_space<hbm>>
    %dma_start3A_23 = tpu.memref_squeeze %dma_start3A_22 : memref<32x1x1024xf32, #tpu.memory_space<hbm>> -> memref<32x1024xf32, #tpu.memory_space<hbm>>
    tpu.enqueue_dma source(%arg4 : memref<32x1024xf32, #tpu.memory_space<vmem>>) target(%dma_start3A_23 : memref<32x1024xf32, #tpu.memory_space<hbm>>) target_semaphore(%arg8 : memref<!tpu.dma_semaphore, #tpu.memory_space<semaphore_mem>>)
    %dma_start3A_24 = arith.constant 1 : i32
    %dma_start3A_25 = arith.constant 1024 : i32
    %dma_start3A_26 = tpu.memref_slice %arg3[%add3A_16, %dma_start3A_24, %dma_start3A_25] : memref<4096x4x2048xf32, #tpu.memory_space<hbm>> -> memref<32x1x1024xf32, #tpu.memory_space<hbm>>
    %dma_start3A_27 = tpu.memref_squeeze %dma_start3A_26 : memref<32x1x1024xf32, #tpu.memory_space<hbm>> -> memref<32x1024xf32, #tpu.memory_space<hbm>>
    %dma_start3A_28 = arith.constant 1024 : i32
    %dma_start3A_29 = tpu.memref_slice %arg3[%add3A_16, %dma_start3A_24, %dma_start3A_28] : memref<4096x4x2048xf32, #tpu.memory_space<hbm>> -> memref<32x1x1024xf32, #tpu.memory_space<hbm>>
    %dma_start3A_30 = tpu.memref_squeeze %dma_start3A_29 : memref<32x1x1024xf32, #tpu.memory_space<hbm>> -> memref<32x1024xf32, #tpu.memory_space<hbm>>
    tpu.enqueue_dma source(%arg4 : memref<32x1024xf32, #tpu.memory_space<vmem>>) target(%dma_start3A_30 : memref<32x1024xf32, #tpu.memory_space<hbm>>) target_semaphore(%arg8 : memref<!tpu.dma_semaphore, #tpu.memory_space<semaphore_mem>>)
    %dma_start3A_31 = arith.constant 2 : i32
    %dma_start3A_32 = arith.constant 1024 : i32
    %dma_start3A_33 = tpu.memref_slice %arg3[%add3A_16, %dma_start3A_31, %dma_start3A_32] : memref<4096x4x2048xf32, #tpu.memory_space<hbm>> -> memref<32x1x1024xf32, #tpu.memory_space<hbm>>
    %dma_start3A_34 = tpu.memref_squeeze %dma_start3A_33 : memref<32x1x1024xf32, #tpu.memory_space<hbm>> -> memref<32x1024xf32, #tpu.memory_space<hbm>>
    %dma_start3A_35 = arith.constant 1024 : i32
    %dma_start3A_36 = tpu.memref_slice %arg3[%add3A_16, %dma_start3A_31, %dma_start3A_35] : memref<4096x4x2048xf32, #tpu.memory_space<hbm>> -> memref<32x1x1024xf32, #tpu.memory_space<hbm>>
    %dma_start3A_37 = tpu.memref_squeeze %dma_start3A_36 : memref<32x1x1024xf32, #tpu.memory_space<hbm>> -> memref<32x1024xf32, #tpu.memory_space<hbm>>
    tpu.enqueue_dma source(%arg4 : memref<32x1024xf32, #tpu.memory_space<vmem>>) target(%dma_start3A_37 : memref<32x1024xf32, #tpu.memory_space<hbm>>) target_semaphore(%arg8 : memref<!tpu.dma_semaphore, #tpu.memory_space<semaphore_mem>>)
    %dma_start3A_38 = arith.constant 3 : i32
    %dma_start3A_39 = arith.constant 1024 : i32
    %dma_start3A_40 = tpu.memref_slice %arg3[%add3A_16, %dma_start3A_38, %dma_start3A_39] : memref<4096x4x2048xf32, #tpu.memory_space<hbm>> -> memref<32x1x1024xf32, #tpu.memory_space<hbm>>
    %dma_start3A_41 = tpu.memref_squeeze %dma_start3A_40 : memref<32x1x1024xf32, #tpu.memory_space<hbm>> -> memref<32x1024xf32, #tpu.memory_space<hbm>>
    %dma_start3A_42 = arith.constant 1024 : i32
    %dma_start3A_43 = tpu.memref_slice %arg3[%add3A_16, %dma_start3A_38, %dma_start3A_42] : memref<4096x4x2048xf32, #tpu.memory_space<hbm>> -> memref<32x1x1024xf32, #tpu.memory_space<hbm>>
    %dma_start3A_44 = tpu.memref_squeeze %dma_start3A_43 : memref<32x1x1024xf32, #tpu.memory_space<hbm>> -> memref<32x1024xf32, #tpu.memory_space<hbm>>
    tpu.enqueue_dma source(%arg4 : memref<32x1024xf32, #tpu.memory_space<vmem>>) target(%dma_start3A_44 : memref<32x1024xf32, #tpu.memory_space<hbm>>) target_semaphore(%arg8 : memref<!tpu.dma_semaphore, #tpu.memory_space<semaphore_mem>>)
    %dma_wait3A_45 = arith.constant 0 : i32
    %dma_wait3A_46 = arith.constant 1024 : i32
    %dma_wait3A_47 = tpu.memref_slice %arg3[%add3A_16, %dma_wait3A_45, %dma_wait3A_46] : memref<4096x4x2048xf32, #tpu.memory_space<hbm>> -> memref<32x1x1024xf32, #tpu.memory_space<hbm>>
    %dma_wait3A_48 = tpu.memref_squeeze %dma_wait3A_47 : memref<32x1x1024xf32, #tpu.memory_space<hbm>> -> memref<32x1024xf32, #tpu.memory_space<hbm>>
    %dma_wait3A_49 = arith.constant 1024 : i32
    %dma_wait3A_50 = tpu.memref_slice %arg3[%add3A_16, %dma_wait3A_45, %dma_wait3A_49] : memref<4096x4x2048xf32, #tpu.memory_space<hbm>> -> memref<32x1x1024xf32, #tpu.memory_space<hbm>>
    %dma_wait3A_51 = tpu.memref_squeeze %dma_wait3A_50 : memref<32x1x1024xf32, #tpu.memory_space<hbm>> -> memref<32x1024xf32, #tpu.memory_space<hbm>>
    tpu.wait_dma2 semaphore(%arg8 : memref<!tpu.dma_semaphore, #tpu.memory_space<semaphore_mem>>) src(%arg4 : memref<32x1024xf32, #tpu.memory_space<vmem>>) dst(%dma_wait3A_51 : memref<32x1024xf32, #tpu.memory_space<hbm>>)
    %dma_wait3A_52 = arith.constant 1 : i32
    %dma_wait3A_53 = arith.constant 1024 : i32
    %dma_wait3A_54 = tpu.memref_slice %arg3[%add3A_16, %dma_wait3A_52, %dma_wait3A_53] : memref<4096x4x2048xf32, #tpu.memory_space<hbm>> -> memref<32x1x1024xf32, #tpu.memory_space<hbm>>
    %dma_wait3A_55 = tpu.memref_squeeze %dma_wait3A_54 : memref<32x1x1024xf32, #tpu.memory_space<hbm>> -> memref<32x1024xf32, #tpu.memory_space<hbm>>
    %dma_wait3A_56 = arith.constant 1024 : i32
    %dma_wait3A_57 = tpu.memref_slice %arg3[%add3A_16, %dma_wait3A_52, %dma_wait3A_56] : memref<4096x4x2048xf32, #tpu.memory_space<hbm>> -> memref<32x1x1024xf32, #tpu.memory_space<hbm>>
    %dma_wait3A_58 = tpu.memref_squeeze %dma_wait3A_57 : memref<32x1x1024xf32, #tpu.memory_space<hbm>> -> memref<32x1024xf32, #tpu.memory_space<hbm>>
    tpu.wait_dma2 semaphore(%arg8 : memref<!tpu.dma_semaphore, #tpu.memory_space<semaphore_mem>>) src(%arg4 : memref<32x1024xf32, #tpu.memory_space<vmem>>) dst(%dma_wait3A_58 : memref<32x1024xf32, #tpu.memory_space<hbm>>)
    %dma_wait3A_59 = arith.constant 2 : i32
    %dma_wait3A_60 = arith.constant 1024 : i32
    %dma_wait3A_61 = tpu.memref_slice %arg3[%add3A_16, %dma_wait3A_59, %dma_wait3A_60] : memref<4096x4x2048xf32, #tpu.memory_space<hbm>> -> memref<32x1x1024xf32, #tpu.memory_space<hbm>>
    %dma_wait3A_62 = tpu.memref_squeeze %dma_wait3A_61 : memref<32x1x1024xf32, #tpu.memory_space<hbm>> -> memref<32x1024xf32, #tpu.memory_space<hbm>>
    %dma_wait3A_63 = arith.constant 1024 : i32
    %dma_wait3A_64 = tpu.memref_slice %arg3[%add3A_16, %dma_wait3A_59, %dma_wait3A_63] : memref<4096x4x2048xf32, #tpu.memory_space<hbm>> -> memref<32x1x1024xf32, #tpu.memory_space<hbm>>
    %dma_wait3A_65 = tpu.memref_squeeze %dma_wait3A_64 : memref<32x1x1024xf32, #tpu.memory_space<hbm>> -> memref<32x1024xf32, #tpu.memory_space<hbm>>
    tpu.wait_dma2 semaphore(%arg8 : memref<!tpu.dma_semaphore, #tpu.memory_space<semaphore_mem>>) src(%arg4 : memref<32x1024xf32, #tpu.memory_space<vmem>>) dst(%dma_wait3A_65 : memref<32x1024xf32, #tpu.memory_space<hbm>>)
    %dma_wait3A_66 = arith.constant 3 : i32
    %dma_wait3A_67 = arith.constant 1024 : i32
    %dma_wait3A_68 = tpu.memref_slice %arg3[%add3A_16, %dma_wait3A_66, %dma_wait3A_67] : memref<4096x4x2048xf32, #tpu.memory_space<hbm>> -> memref<32x1x1024xf32, #tpu.memory_space<hbm>>
    %dma_wait3A_69 = tpu.memref_squeeze %dma_wait3A_68 : memref<32x1x1024xf32, #tpu.memory_space<hbm>> -> memref<32x1024xf32, #tpu.memory_space<hbm>>
    %dma_wait3A_70 = arith.constant 1024 : i32
    %dma_wait3A_71 = tpu.memref_slice %arg3[%add3A_16, %dma_wait3A_66, %dma_wait3A_70] : memref<4096x4x2048xf32, #tpu.memory_space<hbm>> -> memref<32x1x1024xf32, #tpu.memory_space<hbm>>
    %dma_wait3A_72 = tpu.memref_squeeze %dma_wait3A_71 : memref<32x1x1024xf32, #tpu.memory_space<hbm>> -> memref<32x1024xf32, #tpu.memory_space<hbm>>
    tpu.wait_dma2 semaphore(%arg8 : memref<!tpu.dma_semaphore, #tpu.memory_space<semaphore_mem>>) src(%arg4 : memref<32x1024xf32, #tpu.memory_space<vmem>>) dst(%dma_wait3A_72 : memref<32x1024xf32, #tpu.memory_space<hbm>>)
    %add3A_73 = arith.constant 64 : i32
    %add3A_74 = arith.addi %mul3A_2, %add3A_73 : i32
    %dma_start3A_75 = arith.constant 0 : i32
    %dma_start3A_76 = tpu.memref_slice %arg2[%add3A_74, %dma_start3A_75] : memref<8192x1024xf32, #tpu.memory_space<hbm>> -> memref<32x1024xf32, #tpu.memory_space<hbm>>
    %dma_start3A_77 = arith.constant 0 : i32
    %dma_start3A_78 = tpu.memref_slice %arg2[%add3A_74, %dma_start3A_77] : memref<8192x1024xf32, #tpu.memory_space<hbm>> -> memref<32x1024xf32, #tpu.memory_space<hbm>>
    tpu.enqueue_dma source(%dma_start3A_78 : memref<32x1024xf32, #tpu.memory_space<hbm>>) target(%arg4 : memref<32x1024xf32, #tpu.memory_space<vmem>>) target_semaphore(%arg6 : memref<!tpu.dma_semaphore, #tpu.memory_space<semaphore_mem>>)
    %dma_wait3A_79 = arith.constant 0 : i32
    %dma_wait3A_80 = tpu.memref_slice %arg2[%add3A_7, %dma_wait3A_79] : memref<8192x1024xf32, #tpu.memory_space<hbm>> -> memref<32x1024xf32, #tpu.memory_space<hbm>>
    %dma_wait3A_81 = arith.constant 0 : i32
    %dma_wait3A_82 = tpu.memref_slice %arg2[%add3A_7, %dma_wait3A_81] : memref<8192x1024xf32, #tpu.memory_space<hbm>> -> memref<32x1024xf32, #tpu.memory_space<hbm>>
    tpu.wait_dma2 semaphore(%arg7 : memref<!tpu.dma_semaphore, #tpu.memory_space<semaphore_mem>>) src(%dma_wait3A_82 : memref<32x1024xf32, #tpu.memory_space<hbm>>) dst(%arg5 : memref<32x1024xf32, #tpu.memory_space<vmem>>)
    %add3A_83 = arith.constant 32 : i32
    %add3A_84 = arith.addi %mul3A_2, %add3A_83 : i32
    %dma_start3A_85 = arith.constant 0 : i32
    %dma_start3A_86 = arith.constant 1024 : i32
    %dma_start3A_87 = tpu.memref_slice %arg3[%add3A_84, %dma_start3A_85, %dma_start3A_86] : memref<4096x4x2048xf32, #tpu.memory_space<hbm>> -> memref<32x1x1024xf32, #tpu.memory_space<hbm>>
    %dma_start3A_88 = tpu.memref_squeeze %dma_start3A_87 : memref<32x1x1024xf32, #tpu.memory_space<hbm>> -> memref<32x1024xf32, #tpu.memory_space<hbm>>
    %dma_start3A_89 = arith.constant 1024 : i32
    %dma_start3A_90 = tpu.memref_slice %arg3[%add3A_84, %dma_start3A_85, %dma_start3A_89] : memref<4096x4x2048xf32, #tpu.memory_space<hbm>> -> memref<32x1x1024xf32, #tpu.memory_space<hbm>>
    %dma_start3A_91 = tpu.memref_squeeze %dma_start3A_90 : memref<32x1x1024xf32, #tpu.memory_space<hbm>> -> memref<32x1024xf32, #tpu.memory_space<hbm>>
    tpu.enqueue_dma source(%arg5 : memref<32x1024xf32, #tpu.memory_space<vmem>>) target(%dma_start3A_91 : memref<32x1024xf32, #tpu.memory_space<hbm>>) target_semaphore(%arg8 : memref<!tpu.dma_semaphore, #tpu.memory_space<semaphore_mem>>)
    %dma_start3A_92 = arith.constant 1 : i32
    %dma_start3A_93 = arith.constant 1024 : i32
    %dma_start3A_94 = tpu.memref_slice %arg3[%add3A_84, %dma_start3A_92, %dma_start3A_93] : memref<4096x4x2048xf32, #tpu.memory_space<hbm>> -> memref<32x1x1024xf32, #tpu.memory_space<hbm>>
    %dma_start3A_95 = tpu.memref_squeeze %dma_start3A_94 : memref<32x1x1024xf32, #tpu.memory_space<hbm>> -> memref<32x1024xf32, #tpu.memory_space<hbm>>
    %dma_start3A_96 = arith.constant 1024 : i32
    %dma_start3A_97 = tpu.memref_slice %arg3[%add3A_84, %dma_start3A_92, %dma_start3A_96] : memref<4096x4x2048xf32, #tpu.memory_space<hbm>> -> memref<32x1x1024xf32, #tpu.memory_space<hbm>>
    %dma_start3A_98 = tpu.memref_squeeze %dma_start3A_97 : memref<32x1x1024xf32, #tpu.memory_space<hbm>> -> memref<32x1024xf32, #tpu.memory_space<hbm>>
    tpu.enqueue_dma source(%arg5 : memref<32x1024xf32, #tpu.memory_space<vmem>>) target(%dma_start3A_98 : memref<32x1024xf32, #tpu.memory_space<hbm>>) target_semaphore(%arg8 : memref<!tpu.dma_semaphore, #tpu.memory_space<semaphore_mem>>)
    %dma_start3A_99 = arith.constant 2 : i32
    %dma_start3A_100 = arith.constant 1024 : i32
    %dma_start3A_101 = tpu.memref_slice %arg3[%add3A_84, %dma_start3A_99, %dma_start3A_100] : memref<4096x4x2048xf32, #tpu.memory_space<hbm>> -> memref<32x1x1024xf32, #tpu.memory_space<hbm>>
    %dma_start3A_102 = tpu.memref_squeeze %dma_start3A_101 : memref<32x1x1024xf32, #tpu.memory_space<hbm>> -> memref<32x1024xf32, #tpu.memory_space<hbm>>
    %dma_start3A_103 = arith.constant 1024 : i32
    %dma_start3A_104 = tpu.memref_slice %arg3[%add3A_84, %dma_start3A_99, %dma_start3A_103] : memref<4096x4x2048xf32, #tpu.memory_space<hbm>> -> memref<32x1x1024xf32, #tpu.memory_space<hbm>>
    %dma_start3A_105 = tpu.memref_squeeze %dma_start3A_104 : memref<32x1x1024xf32, #tpu.memory_space<hbm>> -> memref<32x1024xf32, #tpu.memory_space<hbm>>
    tpu.enqueue_dma source(%arg5 : memref<32x1024xf32, #tpu.memory_space<vmem>>) target(%dma_start3A_105 : memref<32x1024xf32, #tpu.memory_space<hbm>>) target_semaphore(%arg8 : memref<!tpu.dma_semaphore, #tpu.memory_space<semaphore_mem>>)
    %dma_start3A_106 = arith.constant 3 : i32
    %dma_start3A_107 = arith.constant 1024 : i32
    %dma_start3A_108 = tpu.memref_slice %arg3[%add3A_84, %dma_start3A_106, %dma_start3A_107] : memref<4096x4x2048xf32, #tpu.memory_space<hbm>> -> memref<32x1x1024xf32, #tpu.memory_space<hbm>>
    %dma_start3A_109 = tpu.memref_squeeze %dma_start3A_108 : memref<32x1x1024xf32, #tpu.memory_space<hbm>> -> memref<32x1024xf32, #tpu.memory_space<hbm>>
    %dma_start3A_110 = arith.constant 1024 : i32
    %dma_start3A_111 = tpu.memref_slice %arg3[%add3A_84, %dma_start3A_106, %dma_start3A_110] : memref<4096x4x2048xf32, #tpu.memory_space<hbm>> -> memref<32x1x1024xf32, #tpu.memory_space<hbm>>
    %dma_start3A_112 = tpu.memref_squeeze %dma_start3A_111 : memref<32x1x1024xf32, #tpu.memory_space<hbm>> -> memref<32x1024xf32, #tpu.memory_space<hbm>>
    tpu.enqueue_dma source(%arg5 : memref<32x1024xf32, #tpu.memory_space<vmem>>) target(%dma_start3A_112 : memref<32x1024xf32, #tpu.memory_space<hbm>>) target_semaphore(%arg8 : memref<!tpu.dma_semaphore, #tpu.memory_space<semaphore_mem>>)
    %dma_wait3A_113 = arith.constant 0 : i32
    %dma_wait3A_114 = arith.constant 1024 : i32
    %dma_wait3A_115 = tpu.memref_slice %arg3[%add3A_84, %dma_wait3A_113, %dma_wait3A_114] : memref<4096x4x2048xf32, #tpu.memory_space<hbm>> -> memref<32x1x1024xf32, #tpu.memory_space<hbm>>
    %dma_wait3A_116 = tpu.memref_squeeze %dma_wait3A_115 : memref<32x1x1024xf32, #tpu.memory_space<hbm>> -> memref<32x1024xf32, #tpu.memory_space<hbm>>
    %dma_wait3A_117 = arith.constant 1024 : i32
    %dma_wait3A_118 = tpu.memref_slice %arg3[%add3A_84, %dma_wait3A_113, %dma_wait3A_117] : memref<4096x4x2048xf32, #tpu.memory_space<hbm>> -> memref<32x1x1024xf32, #tpu.memory_space<hbm>>
    %dma_wait3A_119 = tpu.memref_squeeze %dma_wait3A_118 : memref<32x1x1024xf32, #tpu.memory_space<hbm>> -> memref<32x1024xf32, #tpu.memory_space<hbm>>
    tpu.wait_dma2 semaphore(%arg8 : memref<!tpu.dma_semaphore, #tpu.memory_space<semaphore_mem>>) src(%arg5 : memref<32x1024xf32, #tpu.memory_space<vmem>>) dst(%dma_wait3A_119 : memref<32x1024xf32, #tpu.memory_space<hbm>>)
    %dma_wait3A_120 = arith.constant 1 : i32
    %dma_wait3A_121 = arith.constant 1024 : i32
    %dma_wait3A_122 = tpu.memref_slice %arg3[%add3A_84, %dma_wait3A_120, %dma_wait3A_121] : memref<4096x4x2048xf32, #tpu.memory_space<hbm>> -> memref<32x1x1024xf32, #tpu.memory_space<hbm>>
    %dma_wait3A_123 = tpu.memref_squeeze %dma_wait3A_122 : memref<32x1x1024xf32, #tpu.memory_space<hbm>> -> memref<32x1024xf32, #tpu.memory_space<hbm>>
    %dma_wait3A_124 = arith.constant 1024 : i32
    %dma_wait3A_125 = tpu.memref_slice %arg3[%add3A_84, %dma_wait3A_120, %dma_wait3A_124] : memref<4096x4x2048xf32, #tpu.memory_space<hbm>> -> memref<32x1x1024xf32, #tpu.memory_space<hbm>>
    %dma_wait3A_126 = tpu.memref_squeeze %dma_wait3A_125 : memref<32x1x1024xf32, #tpu.memory_space<hbm>> -> memref<32x1024xf32, #tpu.memory_space<hbm>>
    tpu.wait_dma2 semaphore(%arg8 : memref<!tpu.dma_semaphore, #tpu.memory_space<semaphore_mem>>) src(%arg5 : memref<32x1024xf32, #tpu.memory_space<vmem>>) dst(%dma_wait3A_126 : memref<32x1024xf32, #tpu.memory_space<hbm>>)
    %dma_wait3A_127 = arith.constant 2 : i32
    %dma_wait3A_128 = arith.constant 1024 : i32
    %dma_wait3A_129 = tpu.memref_slice %arg3[%add3A_84, %dma_wait3A_127, %dma_wait3A_128] : memref<4096x4x2048xf32, #tpu.memory_space<hbm>> -> memref<32x1x1024xf32, #tpu.memory_space<hbm>>
    %dma_wait3A_130 = tpu.memref_squeeze %dma_wait3A_129 : memref<32x1x1024xf32, #tpu.memory_space<hbm>> -> memref<32x1024xf32, #tpu.memory_space<hbm>>
    %dma_wait3A_131 = arith.constant 1024 : i32
    %dma_wait3A_132 = tpu.memref_slice %arg3[%add3A_84, %dma_wait3A_127, %dma_wait3A_131] : memref<4096x4x2048xf32, #tpu.memory_space<hbm>> -> memref<32x1x1024xf32, #tpu.memory_space<hbm>>
    %dma_wait3A_133 = tpu.memref_squeeze %dma_wait3A_132 : memref<32x1x1024xf32, #tpu.memory_space<hbm>> -> memref<32x1024xf32, #tpu.memory_space<hbm>>
    tpu.wait_dma2 semaphore(%arg8 : memref<!tpu.dma_semaphore, #tpu.memory_space<semaphore_mem>>) src(%arg5 : memref<32x1024xf32, #tpu.memory_space<vmem>>) dst(%dma_wait3A_133 : memref<32x1024xf32, #tpu.memory_space<hbm>>)
    %dma_wait3A_134 = arith.constant 3 : i32
    %dma_wait3A_135 = arith.constant 1024 : i32
    %dma_wait3A_136 = tpu.memref_slice %arg3[%add3A_84, %dma_wait3A_134, %dma_wait3A_135] : memref<4096x4x2048xf32, #tpu.memory_space<hbm>> -> memref<32x1x1024xf32, #tpu.memory_space<hbm>>
    %dma_wait3A_137 = tpu.memref_squeeze %dma_wait3A_136 : memref<32x1x1024xf32, #tpu.memory_space<hbm>> -> memref<32x1024xf32, #tpu.memory_space<hbm>>
    %dma_wait3A_138 = arith.constant 1024 : i32
    %dma_wait3A_139 = tpu.memref_slice %arg3[%add3A_84, %dma_wait3A_134, %dma_wait3A_138] : memref<4096x4x2048xf32, #tpu.memory_space<hbm>> -> memref<32x1x1024xf32, #tpu.memory_space<hbm>>
    %dma_wait3A_140 = tpu.memref_squeeze %dma_wait3A_139 : memref<32x1x1024xf32, #tpu.memory_space<hbm>> -> memref<32x1024xf32, #tpu.memory_space<hbm>>
    tpu.wait_dma2 semaphore(%arg8 : memref<!tpu.dma_semaphore, #tpu.memory_space<semaphore_mem>>) src(%arg5 : memref<32x1024xf32, #tpu.memory_space<vmem>>) dst(%dma_wait3A_140 : memref<32x1024xf32, #tpu.memory_space<hbm>>)
    %add3A_141 = arith.constant 96 : i32
    %add3A_142 = arith.addi %mul3A_2, %add3A_141 : i32
    %dma_start3A_143 = arith.constant 0 : i32
    %dma_start3A_144 = tpu.memref_slice %arg2[%add3A_142, %dma_start3A_143] : memref<8192x1024xf32, #tpu.memory_space<hbm>> -> memref<32x1024xf32, #tpu.memory_space<hbm>>
    %dma_start3A_145 = arith.constant 0 : i32
    %dma_start3A_146 = tpu.memref_slice %arg2[%add3A_142, %dma_start3A_145] : memref<8192x1024xf32, #tpu.memory_space<hbm>> -> memref<32x1024xf32, #tpu.memory_space<hbm>>
    tpu.enqueue_dma source(%dma_start3A_146 : memref<32x1024xf32, #tpu.memory_space<hbm>>) target(%arg5 : memref<32x1024xf32, #tpu.memory_space<vmem>>) target_semaphore(%arg7 : memref<!tpu.dma_semaphore, #tpu.memory_space<semaphore_mem>>)
    %dma_wait3A_147 = arith.constant 0 : i32
    %dma_wait3A_148 = tpu.memref_slice %arg2[%add3A_74, %dma_wait3A_147] : memref<8192x1024xf32, #tpu.memory_space<hbm>> -> memref<32x1024xf32, #tpu.memory_space<hbm>>
    %dma_wait3A_149 = arith.constant 0 : i32
    %dma_wait3A_150 = tpu.memref_slice %arg2[%add3A_74, %dma_wait3A_149] : memref<8192x1024xf32, #tpu.memory_space<hbm>> -> memref<32x1024xf32, #tpu.memory_space<hbm>>
    tpu.wait_dma2 semaphore(%arg6 : memref<!tpu.dma_semaphore, #tpu.memory_space<semaphore_mem>>) src(%dma_wait3A_150 : memref<32x1024xf32, #tpu.memory_space<hbm>>) dst(%arg4 : memref<32x1024xf32, #tpu.memory_space<vmem>>)
    %add3A_151 = arith.constant 64 : i32
    %add3A_152 = arith.addi %mul3A_2, %add3A_151 : i32
    %dma_start3A_153 = arith.constant 0 : i32
    %dma_start3A_154 = arith.constant 1024 : i32
    %dma_start3A_155 = tpu.memref_slice %arg3[%add3A_152, %dma_start3A_153, %dma_start3A_154] : memref<4096x4x2048xf32, #tpu.memory_space<hbm>> -> memref<32x1x1024xf32, #tpu.memory_space<hbm>>
    %dma_start3A_156 = tpu.memref_squeeze %dma_start3A_155 : memref<32x1x1024xf32, #tpu.memory_space<hbm>> -> memref<32x1024xf32, #tpu.memory_space<hbm>>
    %dma_start3A_157 = arith.constant 1024 : i32
    %dma_start3A_158 = tpu.memref_slice %arg3[%add3A_152, %dma_start3A_153, %dma_start3A_157] : memref<4096x4x2048xf32, #tpu.memory_space<hbm>> -> memref<32x1x1024xf32, #tpu.memory_space<hbm>>
    %dma_start3A_159 = tpu.memref_squeeze %dma_start3A_158 : memref<32x1x1024xf32, #tpu.memory_space<hbm>> -> memref<32x1024xf32, #tpu.memory_space<hbm>>
    tpu.enqueue_dma source(%arg4 : memref<32x1024xf32, #tpu.memory_space<vmem>>) target(%dma_start3A_159 : memref<32x1024xf32, #tpu.memory_space<hbm>>) target_semaphore(%arg8 : memref<!tpu.dma_semaphore, #tpu.memory_space<semaphore_mem>>)
    %dma_start3A_160 = arith.constant 1 : i32
    %dma_start3A_161 = arith.constant 1024 : i32
    %dma_start3A_162 = tpu.memref_slice %arg3[%add3A_152, %dma_start3A_160, %dma_start3A_161] : memref<4096x4x2048xf32, #tpu.memory_space<hbm>> -> memref<32x1x1024xf32, #tpu.memory_space<hbm>>
    %dma_start3A_163 = tpu.memref_squeeze %dma_start3A_162 : memref<32x1x1024xf32, #tpu.memory_space<hbm>> -> memref<32x1024xf32, #tpu.memory_space<hbm>>
    %dma_start3A_164 = arith.constant 1024 : i32
    %dma_start3A_165 = tpu.memref_slice %arg3[%add3A_152, %dma_start3A_160, %dma_start3A_164] : memref<4096x4x2048xf32, #tpu.memory_space<hbm>> -> memref<32x1x1024xf32, #tpu.memory_space<hbm>>
    %dma_start3A_166 = tpu.memref_squeeze %dma_start3A_165 : memref<32x1x1024xf32, #tpu.memory_space<hbm>> -> memref<32x1024xf32, #tpu.memory_space<hbm>>
    tpu.enqueue_dma source(%arg4 : memref<32x1024xf32, #tpu.memory_space<vmem>>) target(%dma_start3A_166 : memref<32x1024xf32, #tpu.memory_space<hbm>>) target_semaphore(%arg8 : memref<!tpu.dma_semaphore, #tpu.memory_space<semaphore_mem>>)
    %dma_start3A_167 = arith.constant 2 : i32
    %dma_start3A_168 = arith.constant 1024 : i32
    %dma_start3A_169 = tpu.memref_slice %arg3[%add3A_152, %dma_start3A_167, %dma_start3A_168] : memref<4096x4x2048xf32, #tpu.memory_space<hbm>> -> memref<32x1x1024xf32, #tpu.memory_space<hbm>>
    %dma_start3A_170 = tpu.memref_squeeze %dma_start3A_169 : memref<32x1x1024xf32, #tpu.memory_space<hbm>> -> memref<32x1024xf32, #tpu.memory_space<hbm>>
    %dma_start3A_171 = arith.constant 1024 : i32
    %dma_start3A_172 = tpu.memref_slice %arg3[%add3A_152, %dma_start3A_167, %dma_start3A_171] : memref<4096x4x2048xf32, #tpu.memory_space<hbm>> -> memref<32x1x1024xf32, #tpu.memory_space<hbm>>
    %dma_start3A_173 = tpu.memref_squeeze %dma_start3A_172 : memref<32x1x1024xf32, #tpu.memory_space<hbm>> -> memref<32x1024xf32, #tpu.memory_space<hbm>>
    tpu.enqueue_dma source(%arg4 : memref<32x1024xf32, #tpu.memory_space<vmem>>) target(%dma_start3A_173 : memref<32x1024xf32, #tpu.memory_space<hbm>>) target_semaphore(%arg8 : memref<!tpu.dma_semaphore, #tpu.memory_space<semaphore_mem>>)
    %dma_start3A_174 = arith.constant 3 : i32
    %dma_start3A_175 = arith.constant 1024 : i32
    %dma_start3A_176 = tpu.memref_slice %arg3[%add3A_152, %dma_start3A_174, %dma_start3A_175] : memref<4096x4x2048xf32, #tpu.memory_space<hbm>> -> memref<32x1x1024xf32, #tpu.memory_space<hbm>>
    %dma_start3A_177 = tpu.memref_squeeze %dma_start3A_176 : memref<32x1x1024xf32, #tpu.memory_space<hbm>> -> memref<32x1024xf32, #tpu.memory_space<hbm>>
    %dma_start3A_178 = arith.constant 1024 : i32
    %dma_start3A_179 = tpu.memref_slice %arg3[%add3A_152, %dma_start3A_174, %dma_start3A_178] : memref<4096x4x2048xf32, #tpu.memory_space<hbm>> -> memref<32x1x1024xf32, #tpu.memory_space<hbm>>
    %dma_start3A_180 = tpu.memref_squeeze %dma_start3A_179 : memref<32x1x1024xf32, #tpu.memory_space<hbm>> -> memref<32x1024xf32, #tpu.memory_space<hbm>>
    tpu.enqueue_dma source(%arg4 : memref<32x1024xf32, #tpu.memory_space<vmem>>) target(%dma_start3A_180 : memref<32x1024xf32, #tpu.memory_space<hbm>>) target_semaphore(%arg8 : memref<!tpu.dma_semaphore, #tpu.memory_space<semaphore_mem>>)
    %dma_wait3A_181 = arith.constant 0 : i32
    %dma_wait3A_182 = arith.constant 1024 : i32
    %dma_wait3A_183 = tpu.memref_slice %arg3[%add3A_152, %dma_wait3A_181, %dma_wait3A_182] : memref<4096x4x2048xf32, #tpu.memory_space<hbm>> -> memref<32x1x1024xf32, #tpu.memory_space<hbm>>
    %dma_wait3A_184 = tpu.memref_squeeze %dma_wait3A_183 : memref<32x1x1024xf32, #tpu.memory_space<hbm>> -> memref<32x1024xf32, #tpu.memory_space<hbm>>
    %dma_wait3A_185 = arith.constant 1024 : i32
    %dma_wait3A_186 = tpu.memref_slice %arg3[%add3A_152, %dma_wait3A_181, %dma_wait3A_185] : memref<4096x4x2048xf32, #tpu.memory_space<hbm>> -> memref<32x1x1024xf32, #tpu.memory_space<hbm>>
    %dma_wait3A_187 = tpu.memref_squeeze %dma_wait3A_186 : memref<32x1x1024xf32, #tpu.memory_space<hbm>> -> memref<32x1024xf32, #tpu.memory_space<hbm>>
    tpu.wait_dma2 semaphore(%arg8 : memref<!tpu.dma_semaphore, #tpu.memory_space<semaphore_mem>>) src(%arg4 : memref<32x1024xf32, #tpu.memory_space<vmem>>) dst(%dma_wait3A_187 : memref<32x1024xf32, #tpu.memory_space<hbm>>)
    %dma_wait3A_188 = arith.constant 1 : i32
    %dma_wait3A_189 = arith.constant 1024 : i32
    %dma_wait3A_190 = tpu.memref_slice %arg3[%add3A_152, %dma_wait3A_188, %dma_wait3A_189] : memref<4096x4x2048xf32, #tpu.memory_space<hbm>> -> memref<32x1x1024xf32, #tpu.memory_space<hbm>>
    %dma_wait3A_191 = tpu.memref_squeeze %dma_wait3A_190 : memref<32x1x1024xf32, #tpu.memory_space<hbm>> -> memref<32x1024xf32, #tpu.memory_space<hbm>>
    %dma_wait3A_192 = arith.constant 1024 : i32
    %dma_wait3A_193 = tpu.memref_slice %arg3[%add3A_152, %dma_wait3A_188, %dma_wait3A_192] : memref<4096x4x2048xf32, #tpu.memory_space<hbm>> -> memref<32x1x1024xf32, #tpu.memory_space<hbm>>
    %dma_wait3A_194 = tpu.memref_squeeze %dma_wait3A_193 : memref<32x1x1024xf32, #tpu.memory_space<hbm>> -> memref<32x1024xf32, #tpu.memory_space<hbm>>
    tpu.wait_dma2 semaphore(%arg8 : memref<!tpu.dma_semaphore, #tpu.memory_space<semaphore_mem>>) src(%arg4 : memref<32x1024xf32, #tpu.memory_space<vmem>>) dst(%dma_wait3A_194 : memref<32x1024xf32, #tpu.memory_space<hbm>>)
    %dma_wait3A_195 = arith.constant 2 : i32
    %dma_wait3A_196 = arith.constant 1024 : i32
    %dma_wait3A_197 = tpu.memref_slice %arg3[%add3A_152, %dma_wait3A_195, %dma_wait3A_196] : memref<4096x4x2048xf32, #tpu.memory_space<hbm>> -> memref<32x1x1024xf32, #tpu.memory_space<hbm>>
    %dma_wait3A_198 = tpu.memref_squeeze %dma_wait3A_197 : memref<32x1x1024xf32, #tpu.memory_space<hbm>> -> memref<32x1024xf32, #tpu.memory_space<hbm>>
    %dma_wait3A_199 = arith.constant 1024 : i32
    %dma_wait3A_200 = tpu.memref_slice %arg3[%add3A_152, %dma_wait3A_195, %dma_wait3A_199] : memref<4096x4x2048xf32, #tpu.memory_space<hbm>> -> memref<32x1x1024xf32, #tpu.memory_space<hbm>>
    %dma_wait3A_201 = tpu.memref_squeeze %dma_wait3A_200 : memref<32x1x1024xf32, #tpu.memory_space<hbm>> -> memref<32x1024xf32, #tpu.memory_space<hbm>>
    tpu.wait_dma2 semaphore(%arg8 : memref<!tpu.dma_semaphore, #tpu.memory_space<semaphore_mem>>) src(%arg4 : memref<32x1024xf32, #tpu.memory_space<vmem>>) dst(%dma_wait3A_201 : memref<32x1024xf32, #tpu.memory_space<hbm>>)
    %dma_wait3A_202 = arith.constant 3 : i32
    %dma_wait3A_203 = arith.constant 1024 : i32
    %dma_wait3A_204 = tpu.memref_slice %arg3[%add3A_152, %dma_wait3A_202, %dma_wait3A_203] : memref<4096x4x2048xf32, #tpu.memory_space<hbm>> -> memref<32x1x1024xf32, #tpu.memory_space<hbm>>
    %dma_wait3A_205 = tpu.memref_squeeze %dma_wait3A_204 : memref<32x1x1024xf32, #tpu.memory_space<hbm>> -> memref<32x1024xf32, #tpu.memory_space<hbm>>
    %dma_wait3A_206 = arith.constant 1024 : i32
    %dma_wait3A_207 = tpu.memref_slice %arg3[%add3A_152, %dma_wait3A_202, %dma_wait3A_206] : memref<4096x4x2048xf32, #tpu.memory_space<hbm>> -> memref<32x1x1024xf32, #tpu.memory_space<hbm>>
    %dma_wait3A_208 = tpu.memref_squeeze %dma_wait3A_207 : memref<32x1x1024xf32, #tpu.memory_space<hbm>> -> memref<32x1024xf32, #tpu.memory_space<hbm>>
    tpu.wait_dma2 semaphore(%arg8 : memref<!tpu.dma_semaphore, #tpu.memory_space<semaphore_mem>>) src(%arg4 : memref<32x1024xf32, #tpu.memory_space<vmem>>) dst(%dma_wait3A_208 : memref<32x1024xf32, #tpu.memory_space<hbm>>)
    %dma_wait3A_209 = arith.constant 0 : i32
    %dma_wait3A_210 = tpu.memref_slice %arg2[%add3A_142, %dma_wait3A_209] : memref<8192x1024xf32, #tpu.memory_space<hbm>> -> memref<32x1024xf32, #tpu.memory_space<hbm>>
    %dma_wait3A_211 = arith.constant 0 : i32
    %dma_wait3A_212 = tpu.memref_slice %arg2[%add3A_142, %dma_wait3A_211] : memref<8192x1024xf32, #tpu.memory_space<hbm>> -> memref<32x1024xf32, #tpu.memory_space<hbm>>
    tpu.wait_dma2 semaphore(%arg7 : memref<!tpu.dma_semaphore, #tpu.memory_space<semaphore_mem>>) src(%dma_wait3A_212 : memref<32x1024xf32, #tpu.memory_space<hbm>>) dst(%arg5 : memref<32x1024xf32, #tpu.memory_space<vmem>>)
    %add3A_213 = arith.constant 96 : i32
    %add3A_214 = arith.addi %mul3A_2, %add3A_213 : i32
    %dma_start3A_215 = arith.constant 0 : i32
    %dma_start3A_216 = arith.constant 1024 : i32
    %dma_start3A_217 = tpu.memref_slice %arg3[%add3A_214, %dma_start3A_215, %dma_start3A_216] : memref<4096x4x2048xf32, #tpu.memory_space<hbm>> -> memref<32x1x1024xf32, #tpu.memory_space<hbm>>
    %dma_start3A_218 = tpu.memref_squeeze %dma_start3A_217 : memref<32x1x1024xf32, #tpu.memory_space<hbm>> -> memref<32x1024xf32, #tpu.memory_space<hbm>>
    %dma_start3A_219 = arith.constant 1024 : i32
    %dma_start3A_220 = tpu.memref_slice %arg3[%add3A_214, %dma_start3A_215, %dma_start3A_219] : memref<4096x4x2048xf32, #tpu.memory_space<hbm>> -> memref<32x1x1024xf32, #tpu.memory_space<hbm>>
    %dma_start3A_221 = tpu.memref_squeeze %dma_start3A_220 : memref<32x1x1024xf32, #tpu.memory_space<hbm>> -> memref<32x1024xf32, #tpu.memory_space<hbm>>
    tpu.enqueue_dma source(%arg5 : memref<32x1024xf32, #tpu.memory_space<vmem>>) target(%dma_start3A_221 : memref<32x1024xf32, #tpu.memory_space<hbm>>) target_semaphore(%arg8 : memref<!tpu.dma_semaphore, #tpu.memory_space<semaphore_mem>>)
    %dma_start3A_222 = arith.constant 1 : i32
    %dma_start3A_223 = arith.constant 1024 : i32
    %dma_start3A_224 = tpu.memref_slice %arg3[%add3A_214, %dma_start3A_222, %dma_start3A_223] : memref<4096x4x2048xf32, #tpu.memory_space<hbm>> -> memref<32x1x1024xf32, #tpu.memory_space<hbm>>
    %dma_start3A_225 = tpu.memref_squeeze %dma_start3A_224 : memref<32x1x1024xf32, #tpu.memory_space<hbm>> -> memref<32x1024xf32, #tpu.memory_space<hbm>>
    %dma_start3A_226 = arith.constant 1024 : i32
    %dma_start3A_227 = tpu.memref_slice %arg3[%add3A_214, %dma_start3A_222, %dma_start3A_226] : memref<4096x4x2048xf32, #tpu.memory_space<hbm>> -> memref<32x1x1024xf32, #tpu.memory_space<hbm>>
    %dma_start3A_228 = tpu.memref_squeeze %dma_start3A_227 : memref<32x1x1024xf32, #tpu.memory_space<hbm>> -> memref<32x1024xf32, #tpu.memory_space<hbm>>
    tpu.enqueue_dma source(%arg5 : memref<32x1024xf32, #tpu.memory_space<vmem>>) target(%dma_start3A_228 : memref<32x1024xf32, #tpu.memory_space<hbm>>) target_semaphore(%arg8 : memref<!tpu.dma_semaphore, #tpu.memory_space<semaphore_mem>>)
    %dma_start3A_229 = arith.constant 2 : i32
    %dma_start3A_230 = arith.constant 1024 : i32
    %dma_start3A_231 = tpu.memref_slice %arg3[%add3A_214, %dma_start3A_229, %dma_start3A_230] : memref<4096x4x2048xf32, #tpu.memory_space<hbm>> -> memref<32x1x1024xf32, #tpu.memory_space<hbm>>
    %dma_start3A_232 = tpu.memref_squeeze %dma_start3A_231 : memref<32x1x1024xf32, #tpu.memory_space<hbm>> -> memref<32x1024xf32, #tpu.memory_space<hbm>>
    %dma_start3A_233 = arith.constant 1024 : i32
    %dma_start3A_234 = tpu.memref_slice %arg3[%add3A_214, %dma_start3A_229, %dma_start3A_233] : memref<4096x4x2048xf32, #tpu.memory_space<hbm>> -> memref<32x1x1024xf32, #tpu.memory_space<hbm>>
    %dma_start3A_235 = tpu.memref_squeeze %dma_start3A_234 : memref<32x1x1024xf32, #tpu.memory_space<hbm>> -> memref<32x1024xf32, #tpu.memory_space<hbm>>
    tpu.enqueue_dma source(%arg5 : memref<32x1024xf32, #tpu.memory_space<vmem>>) target(%dma_start3A_235 : memref<32x1024xf32, #tpu.memory_space<hbm>>) target_semaphore(%arg8 : memref<!tpu.dma_semaphore, #tpu.memory_space<semaphore_mem>>)
    %dma_start3A_236 = arith.constant 3 : i32
    %dma_start3A_237 = arith.constant 1024 : i32
    %dma_start3A_238 = tpu.memref_slice %arg3[%add3A_214, %dma_start3A_236, %dma_start3A_237] : memref<4096x4x2048xf32, #tpu.memory_space<hbm>> -> memref<32x1x1024xf32, #tpu.memory_space<hbm>>
    %dma_start3A_239 = tpu.memref_squeeze %dma_start3A_238 : memref<32x1x1024xf32, #tpu.memory_space<hbm>> -> memref<32x1024xf32, #tpu.memory_space<hbm>>
    %dma_start3A_240 = arith.constant 1024 : i32
    %dma_start3A_241 = tpu.memref_slice %arg3[%add3A_214, %dma_start3A_236, %dma_start3A_240] : memref<4096x4x2048xf32, #tpu.memory_space<hbm>> -> memref<32x1x1024xf32, #tpu.memory_space<hbm>>
    %dma_start3A_242 = tpu.memref_squeeze %dma_start3A_241 : memref<32x1x1024xf32, #tpu.memory_space<hbm>> -> memref<32x1024xf32, #tpu.memory_space<hbm>>
    tpu.enqueue_dma source(%arg5 : memref<32x1024xf32, #tpu.memory_space<vmem>>) target(%dma_start3A_242 : memref<32x1024xf32, #tpu.memory_space<hbm>>) target_semaphore(%arg8 : memref<!tpu.dma_semaphore, #tpu.memory_space<semaphore_mem>>)
    %dma_wait3A_243 = arith.constant 0 : i32
    %dma_wait3A_244 = arith.constant 1024 : i32
    %dma_wait3A_245 = tpu.memref_slice %arg3[%add3A_214, %dma_wait3A_243, %dma_wait3A_244] : memref<4096x4x2048xf32, #tpu.memory_space<hbm>> -> memref<32x1x1024xf32, #tpu.memory_space<hbm>>
    %dma_wait3A_246 = tpu.memref_squeeze %dma_wait3A_245 : memref<32x1x1024xf32, #tpu.memory_space<hbm>> -> memref<32x1024xf32, #tpu.memory_space<hbm>>
    %dma_wait3A_247 = arith.constant 1024 : i32
    %dma_wait3A_248 = tpu.memref_slice %arg3[%add3A_214, %dma_wait3A_243, %dma_wait3A_247] : memref<4096x4x2048xf32, #tpu.memory_space<hbm>> -> memref<32x1x1024xf32, #tpu.memory_space<hbm>>
    %dma_wait3A_249 = tpu.memref_squeeze %dma_wait3A_248 : memref<32x1x1024xf32, #tpu.memory_space<hbm>> -> memref<32x1024xf32, #tpu.memory_space<hbm>>
    tpu.wait_dma2 semaphore(%arg8 : memref<!tpu.dma_semaphore, #tpu.memory_space<semaphore_mem>>) src(%arg5 : memref<32x1024xf32, #tpu.memory_space<vmem>>) dst(%dma_wait3A_249 : memref<32x1024xf32, #tpu.memory_space<hbm>>)
    %dma_wait3A_250 = arith.constant 1 : i32
    %dma_wait3A_251 = arith.constant 1024 : i32
    %dma_wait3A_252 = tpu.memref_slice %arg3[%add3A_214, %dma_wait3A_250, %dma_wait3A_251] : memref<4096x4x2048xf32, #tpu.memory_space<hbm>> -> memref<32x1x1024xf32, #tpu.memory_space<hbm>>
    %dma_wait3A_253 = tpu.memref_squeeze %dma_wait3A_252 : memref<32x1x1024xf32, #tpu.memory_space<hbm>> -> memref<32x1024xf32, #tpu.memory_space<hbm>>
    %dma_wait3A_254 = arith.constant 1024 : i32
    %dma_wait3A_255 = tpu.memref_slice %arg3[%add3A_214, %dma_wait3A_250, %dma_wait3A_254] : memref<4096x4x2048xf32, #tpu.memory_space<hbm>> -> memref<32x1x1024xf32, #tpu.memory_space<hbm>>
    %dma_wait3A_256 = tpu.memref_squeeze %dma_wait3A_255 : memref<32x1x1024xf32, #tpu.memory_space<hbm>> -> memref<32x1024xf32, #tpu.memory_space<hbm>>
    tpu.wait_dma2 semaphore(%arg8 : memref<!tpu.dma_semaphore, #tpu.memory_space<semaphore_mem>>) src(%arg5 : memref<32x1024xf32, #tpu.memory_space<vmem>>) dst(%dma_wait3A_256 : memref<32x1024xf32, #tpu.memory_space<hbm>>)
    %dma_wait3A_257 = arith.constant 2 : i32
    %dma_wait3A_258 = arith.constant 1024 : i32
    %dma_wait3A_259 = tpu.memref_slice %arg3[%add3A_214, %dma_wait3A_257, %dma_wait3A_258] : memref<4096x4x2048xf32, #tpu.memory_space<hbm>> -> memref<32x1x1024xf32, #tpu.memory_space<hbm>>
    %dma_wait3A_260 = tpu.memref_squeeze %dma_wait3A_259 : memref<32x1x1024xf32, #tpu.memory_space<hbm>> -> memref<32x1024xf32, #tpu.memory_space<hbm>>
    %dma_wait3A_261 = arith.constant 1024 : i32
    %dma_wait3A_262 = tpu.memref_slice %arg3[%add3A_214, %dma_wait3A_257, %dma_wait3A_261] : memref<4096x4x2048xf32, #tpu.memory_space<hbm>> -> memref<32x1x1024xf32, #tpu.memory_space<hbm>>
    %dma_wait3A_263 = tpu.memref_squeeze %dma_wait3A_262 : memref<32x1x1024xf32, #tpu.memory_space<hbm>> -> memref<32x1024xf32, #tpu.memory_space<hbm>>
    tpu.wait_dma2 semaphore(%arg8 : memref<!tpu.dma_semaphore, #tpu.memory_space<semaphore_mem>>) src(%arg5 : memref<32x1024xf32, #tpu.memory_space<vmem>>) dst(%dma_wait3A_263 : memref<32x1024xf32, #tpu.memory_space<hbm>>)
    %dma_wait3A_264 = arith.constant 3 : i32
    %dma_wait3A_265 = arith.constant 1024 : i32
    %dma_wait3A_266 = tpu.memref_slice %arg3[%add3A_214, %dma_wait3A_264, %dma_wait3A_265] : memref<4096x4x2048xf32, #tpu.memory_space<hbm>> -> memref<32x1x1024xf32, #tpu.memory_space<hbm>>
    %dma_wait3A_267 = tpu.memref_squeeze %dma_wait3A_266 : memref<32x1x1024xf32, #tpu.memory_space<hbm>> -> memref<32x1024xf32, #tpu.memory_space<hbm>>
    %dma_wait3A_268 = arith.constant 1024 : i32
    %dma_wait3A_269 = tpu.memref_slice %arg3[%add3A_214, %dma_wait3A_264, %dma_wait3A_268] : memref<4096x4x2048xf32, #tpu.memory_space<hbm>> -> memref<32x1x1024xf32, #tpu.memory_space<hbm>>
    %dma_wait3A_270 = tpu.memref_squeeze %dma_wait3A_269 : memref<32x1x1024xf32, #tpu.memory_space<hbm>> -> memref<32x1024xf32, #tpu.memory_space<hbm>>
    tpu.wait_dma2 semaphore(%arg8 : memref<!tpu.dma_semaphore, #tpu.memory_space<semaphore_mem>>) src(%arg5 : memref<32x1024xf32, #tpu.memory_space<vmem>>) dst(%dma_wait3A_270 : memref<32x1024xf32, #tpu.memory_space<hbm>>)
    return
  }
}

module attributes {stable_mosaic.version = 14 : i64} {
  func.func @_x_body(%arg0: i32, %arg1: memref<4096x4x2048xf32, #tpu.memory_space<any>>, %arg2: memref<512x4x1024xf32, #tpu.memory_space<vmem>>, %arg3: memref<512x4x1024xf32, #tpu.memory_space<vmem>>) attributes {dimension_semantics = [#tpu.dimension_semantics<arbitrary>], iteration_bounds = array<i64: 8>, scalar_prefetch = 0 : i64, scratch_operands = 0 : i64, tpu.core_type = #tpu.core_type<tc>, window_params = [{}, {transform_indices = @transform_1, window_bounds = array<i64: 512, 4, 1024>}, {transform_indices = @transform_2, window_bounds = array<i64: 512, 4, 1024>}]} {
    %get3A = arith.constant 0 : index
    %get3A_0 = arith.constant 0 : index
    %get3A_1 = arith.constant 0 : index
    %get3A_2 = vector.load %arg2[%get3A, %get3A_0, %get3A_1] : memref<512x4x1024xf32, #tpu.memory_space<vmem>>, vector<512x4x1024xf32>
    %swap3A = arith.constant 0 : index
    %swap3A_3 = arith.constant 0 : index
    %swap3A_4 = arith.constant 0 : index
    %swap3A_5 = vector.load %arg3[%swap3A, %swap3A_3, %swap3A_4] : memref<512x4x1024xf32, #tpu.memory_space<vmem>>, vector<512x4x1024xf32>
    tpu.vector_store %arg3[%swap3A, %swap3A_3, %swap3A_4], %get3A_2 {strides = array<i32>} : memref<512x4x1024xf32, #tpu.memory_space<vmem>>, vector<512x4x1024xf32>,
    return
  }
  func.func @transform_1(%arg0: i32) -> (i32, i32, i32) {
    %c0_i32 = arith.constant 0 : i32
    %c0_i32_0 = arith.constant 0 : i32
    %c0_i32_1 = arith.constant 0 : i32
    return %arg0, %c0_i32, %c0_i32_0 : i32, i32, i32
  }
  func.func @transform_2(%arg0: i32) -> (i32, i32, i32) {
    %c0_i32 = arith.constant 0 : i32
    %c0_i32_0 = arith.constant 0 : i32
    %c0_i32_1 = arith.constant 0 : i32
    return %arg0, %c0_i32, %c0_i32_0 : i32, i32, i32
  }
}

</mosaic_0001>

<sc_bundles>
// kernel: kernel.4.cloned.1.call-start
scs
__scs_entry_jumppad:
0x0: {  	(pc) =	sbr.rel $0x88, $3  }
0x1: {  	(tag) =	ssettag $0x0;
	lr =	simm.s32 $0x1  }
0x2: {  	[smem:$0x3F9F] =	sst lr;
	_ =	strace $0xD0000000  }
0x3: {  	_ = 	snop  }
0x4: {  	_ = 	snop  }
0x5: {  	_ = 	snop  }
0x6: {  	_ = 	snop  }
0x7: {  	_ = 	snop  }
__scs_overlays_trampoline_lowered:
0x8: {  	[smem:$0x3FAE] =	sst s0  }
0x9: {  	[smem:$0x3FAF] =	sst s1  }
0xa: {  	[smem:$0x3FB0] =	sst s2  }
0xb: {  	[smem:$0x3FB1] =	sst s3  }
0xc: {  	[smem:$0x3FB2] =	sst s4  }
0xd: {  	[smem:$0x3FB3] =	sst s5  }
0xe: {  	[smem:$0x3FB4] =	sst s6  }
0xf: {  	[smem:$0x3FB5] =	sst s7  }
0x10: {  	[smem:$0x3FB6] =	sst s8  }
0x11: {  	[smem:$0x3FB7] =	sst s9;
	s0 =	simm.s32 @!p0 $0x0  }
0x12: {  	s1 =	sld [smem:$0x3F9D];
	s0 =	simm.s32 @p0 $0x1  }
0x13: {  	[smem:$0x3FB8] =	sst s0;
	s0 =	simm.s32 @!p1 $0x0  }
0x14: {  	s2 =	sld [smem:$0x3F9C];
	s0 =	simm.s32 @p1 $0x1  }
0x15: {  	[smem:$0x3FB9] =	sst s0;
	s0 =	simm.s32 @!p2 $0x0  }
0x16: {  	s3 =	sld [smem:$0x3FDB];
	s0 =	simm.s32 @p2 $0x1  }
0x17: {  	s4 =	simm.s32 $0x1BF5;
	[smem:$0x3FBB] =	sst s0  }
0x18: {  	s0 =	sld [smem:$0x3F9E];
	_ =	swait.ge [sflag:s4], $0x0  }
0x19: {  	s7 =	sld [smem:$0x3F9F]  }
0x1a: {  	s8 =	sadd.s32 $0xFFFFE003, lr  }
0x1b: {  	s9 =	sadd.s32 $0xFFFFFEF7, lr;
	s5 =	simm.s32 $0xFFFFFFFF;
	p2 =	slt.u32 s8, $0xFFFFF086  }
0x1c: {  	p1 =	slt.u32 s9, $0xF7A;
	s5 =	simm.s32 @!p2 $0x0  }
0x1d: {  	s5 =	simm.s32 @p1 $0x1;
	p0 =	seq.s32 s7, s2  }
0x1e: {  	s7 =	smul.u32 @!p0 $0xF7A, s2;
	p2 =	seq.s32 @!p0 s5, $0x0  }
0x1f: {  	s9 =	smul.u32 $0xF7A, s1;
	s8 =	simm.s32 @!p0 $0x1BF5;
	p2 =	por !p2, p0  }
0x20: {  	[sflag:s8] =	ssyncset.s32 @!p0 $0xFFFFF086;
	s6 =	sadd.s32 @!p0 s3, s7;
	s7 =	simm.s32 @!p0 $0x108  }
0x21: {  	s3 =	sadd.s32 s3, s9;
	s6 =	sadd.s32 @!p0 $0x88, s6;
	s7 =	simm.s32 @p2 $0x1082  }
0x22: {  	[simem:s7], [sflag:s8] =	dma.local @!p0 [hbm:s6], $0xF7A  }
0x23: {  	s9 =	sor.u32 $0xD0000000, s2;
	s6 =	simm.s32 $0x108;
	_ =	swait.ge @!p0 [sflag:s8], $0x0  }
0x24: {  	s3 =	sadd.s32 $0x88, s3;
	s6 =	simm.s32 @!p1 $0x1082;
	[sflag:s4] =	ssyncset.s32 $0xFFFFF086  }
0x25: {  	[simem:s6], [sflag:s4] =	dma.local [hbm:s3], $0xF7A  }
0x26: {  	[smem:$0x3F9F] =	sst s1;
	(tag) =	ssettag s2;
	_ =	strace s9  }
0x27: {  	s1 =	sld [smem:$0x3FAF]  }
0x28: {  	s2 =	sld [smem:$0x3FB0]  }
0x29: {  	s4 =	sld [smem:$0x3FB2]  }
0x2a: {  	p0 =	seq.s32 s5, $0x0;
	s5 =	sld [smem:$0x3FB3]  }
0x2b: {  	s6 =	sld [smem:$0x3FB4]  }
0x2c: {  	s7 =	sld [smem:$0x3FB5]  }
0x2d: {  	s3 =	simm.s32 $0x108;
	s8 =	sld [smem:$0x3FB6]  }
0x2e: {  	s3 =	simm.s32 @!p0 $0x1082;
	s9 =	sld [smem:$0x3FB7]  }
0x2f: {  	lr =	sadd.s32 s0, s3;
	s0 =	sld [smem:$0x3FAE]  }
0x30: {  	s3 =	sld [smem:$0x3FB1]  }
0x31: {  	[smem:$0x3FBA] =	sst s10  }
0x32: {  	s10 =	sld [smem:$0x3FB8];
	_ =	sdelay $0x3  }
0x33: {  	p0 =	seq.s32 s10, $0x1;
	s10 =	sld [smem:$0x3FBA];
	_ =	sdelay $0x3  }
0x34: {  	[smem:$0x3FBA] =	sst s10  }
0x35: {  	s10 =	sld [smem:$0x3FB9];
	_ =	sdelay $0x3  }
0x36: {  	p1 =	seq.s32 s10, $0x1;
	s10 =	sld [smem:$0x3FBA];
	_ =	sdelay $0x3  }
0x37: {  	[smem:$0x3FBA] =	sst s10  }
0x38: {  	s10 =	sld [smem:$0x3FBB]  }
0x39: {  	_ = 	snop;
	(pc) =	sbr.ind lr, $3  }
0x3a: {  	_ = 	snop  }
0x3b: {  	_ = 	snop  }
0x3c: {  	p2 =	seq.s32 s10, $0x1;
	s10 =	sld [smem:$0x3FBA]  }
0x3d: {  	_ =	shalt  }
0x3e: {  	_ =	shalt  }
0x3f: {  	_ =	shalt  }
0x40: {  	_ =	shalt  }
0x41: {  	_ =	shalt  }
0x42: {  	_ =	shalt  }
0x43: {  	_ =	shalt  }
0x44: {  	_ =	shalt  }
0x45: {  	_ =	shalt  }
0x46: {  	_ =	shalt  }
0x47: {  	_ =	shalt  }
0x48: {  	_ =	shalt  }
0x49: {  	_ =	shalt  }
0x4a: {  	_ =	shalt  }
0x4b: {  	_ =	shalt  }
0x4c: {  	_ =	shalt  }
0x4d: {  	_ =	shalt  }
0x4e: {  	_ =	shalt  }
0x4f: {  	_ =	shalt  }
0x50: {  	_ =	shalt  }
0x51: {  	_ =	shalt  }
0x52: {  	_ =	shalt  }
0x53: {  	_ =	shalt  }
0x54: {  	_ =	shalt  }
0x55: {  	_ =	shalt  }
0x56: {  	_ =	shalt  }
0x57: {  	_ =	shalt  }
0x58: {  	_ =	shalt  }
0x59: {  	_ =	shalt  }
0x5a: {  	_ =	shalt  }
0x5b: {  	_ =	shalt  }
0x5c: {  	_ =	shalt  }
0x5d: {  	_ =	shalt  }
0x5e: {  	_ =	shalt  }
0x5f: {  	_ =	shalt  }
0x60: {  	_ =	shalt  }
0x61: {  	_ =	shalt  }
0x62: {  	_ =	shalt  }
0x63: {  	_ =	shalt  }
0x64: {  	_ =	shalt  }
0x65: {  	_ =	shalt  }
0x66: {  	_ =	shalt  }
0x67: {  	_ =	shalt  }
0x68: {  	_ =	shalt  }
0x69: {  	_ =	shalt  }
0x6a: {  	_ =	shalt  }
0x6b: {  	_ =	shalt  }
0x6c: {  	_ =	shalt  }
0x6d: {  	_ =	shalt  }
0x6e: {  	_ =	shalt  }
0x6f: {  	_ =	shalt  }
0x70: {  	_ =	shalt  }
0x71: {  	_ =	shalt  }
0x72: {  	_ =	shalt  }
0x73: {  	_ =	shalt  }
0x74: {  	_ =	shalt  }
0x75: {  	_ =	shalt  }
0x76: {  	_ =	shalt  }
0x77: {  	_ =	shalt  }
0x78: {  	_ =	shalt  }
0x79: {  	_ =	shalt  }
0x7a: {  	_ =	shalt  }
0x7b: {  	_ =	shalt  }
0x7c: {  	_ =	shalt  }
0x7d: {  	_ =	shalt  }
0x7e: {  	_ =	shalt  }
0x7f: {  	_ =	shalt  }
0x80: {  	_ =	shalt  }
0x81: {  	_ =	shalt  }
0x82: {  	_ =	shalt  }
0x83: {  	_ =	shalt  }
0x84: {  	_ =	shalt  }
0x85: {  	_ =	shalt  }
0x86: {  	_ =	shalt  }
0x87: {  	_ =	shalt  }
.Lfunc_end0:
.L_simem_size_0:
called_computation_lowered:
.L_overlay_start_0:
0x88: {  	s2 =	sld [smem:$0x3FD9]  }
0x89: {  	s3 =	sld [smem:$0x3FFE];
	_ =	sdelay $0x1  }
0x8a: {  	s1 =	srdreg.scid  }
0x8b: {  	s0 =	sand.u32 $0x1, s1  }
0x8c: {  	s18 =	sshll.u32 s0, $0xA;
	s2 =	sadd.s32 s3, s2  }
0x8d: {  	s2 =	sadd.s32 s2, s18  }
0x8e: {  	[smem:$0x3FC6] =	sst s2  }
0x8f: {  	_ = 	snop  }
0x90: {  	s2 =	sld [smem:$0x3FC8]  }
0x91: {  	s19 =	sld [smem:$0x3FD0];
	(tm) =	ssettm $0x1  }
0x92: {  	s4 =	sld [smem:$0x3FFB];
	_ =	sdelay $0x3  }
0x93: {  	_ =	strace s4  }
0x94: {  	s4 =	sld [smem:$0x3FFC];
	_ =	sdelay $0x3  }
0x95: {  	_ =	strace s4  }
0x96: {  	s4 =	sld [smem:$0x3FFD];
	_ =	sdelay $0x3  }
0x97: {  	_ =	strace s4  }
0x98: {  	_ =	strace $0x8FFFFFFF  }
0x99: {  	s20 =	sld [smem:$0x3FDB];
	_ =	sdelay $0x1  }
0x9a: {  	s5 =	simm.s32 $_scs_section_size  }
0x9b: {  	s6 =	simm.s32 $_size__tile_overlayer_lowered;
	s7 =	simm.s32 $_tile_overlayer_lowered  }
0x9c: {  	s23 =	simm.s32 $0x1BFF;
	s22 =	sshll.u32 s7, $0x1;
	s4 =	sadd.s32 s5, s20  }
0x9d: {  	s8 =	simm.s32 $0x0;
	s21 =	sshll.u32 s6, $0x1;
	s6 =	sadd.s32 s22, s4  }
0x9e: {  	[timem:s8], [sflag:s23] =	dma.local [hbm:s6], s21  }
0x9f: {  	_ =	swait.ge [sflag:s23], s21  }
0xa0: {  	s5 =	ssub.s32 $0x0, s21;
	[sflag:s23] =	ssyncset.done $0x0  }
0xa1: {  	[sflag:s23] =	ssyncadd.s32 s5;
	_ =	sdelay $0x1  }
0xa2: {  	s24 =	simm.s32 $0x1B8B  }
0xa3: {  	_ =	swait.ge [sflag:s24], $0x1  }
0xa4: {  	[sflag:s24] =	ssyncset.done $0x0  }
0xa5: {  	s25 =	simm.s32 $0x1B8E;
	[sflag:s24] =	ssyncadd.s32 $0xFFFFFFFF  }
0xa6: {  	s26 =	simm.s32 $execute0_lowered;
	[smem:$0x3FD2] =	sst s25  }
0xa7: {  	s5 =	sshll.u32 s26, $0x1;
	_ =	strace $0x80000046;
	[dreg:$0x1] =	wrdreg $0xFFFFFFFF  }
0xa8: {  	s28 =	simm.s32 $_size_execute0_lowered;
	s4 =	sadd.s32 s4, s5;
	[dreg:$0x0] =	wrdreg $0x0  }
0xa9: {  	s5 =	sshll.u32 s28, $0x1;
	[dreg:$0x2] =	wrdreg s4  }
0xaa: {  	[dreg:$0x3] =	wrdreg s5  }
0xab: {  	[dreg:$0x4] =	wrdreg $0xC0  }
0xac: {  	_ =	task [dreg:s8], $0x5FFFF  }
0xad: {  	[dreg:$0x1] =	wrdreg $0xFFFFFFFF  }
0xae: {  	[dreg:$0x0] =	wrdreg $0x60  }
0xaf: {  	[dreg:$0x2] =	wrdreg s2  }
0xb0: {  	[dreg:$0x3] =	wrdreg s19  }
0xb1: {  	[dreg:$0x4] =	wrdreg $0x9  }
0xb2: {  	_ =	task.clear_ibuf [dreg:s8], $0x5FFFF;
	_ =	strace $0x90000046  }
0xb3: {  	s29 =	simm.s32 $0x9;
	_ =	strace $0x80000048  }
0xb4: {  	_ =	swait.ge [sflag:s29], $0x1  }
0xb5: {  	[sflag:s29] =	ssyncadd.s32 $0xFFFFFFFF  }
0xb6: {  	_ =	strace $0x90000048  }
0xb7: {  	_ =	sfence  }
0xb8: {  	s30 =	sld [smem:$0x0];
	_ =	sdelay $0x2  }
0xb9: {  	s31 =	sshll.u32 s1, $0xD;
	s1 =	sshrl.u32 s1, $0x2  }
0xba: {  	s3 =	sand.u32 $0x4000, s31;
	s1 =	sadd.s32 s1, s30  }
0xbb: {  	s0 =	sor.u32 s3, s0;
	s1 =	sshll.u32 s1, $0x11  }
0xbc: {  	s0 =	sor.u32 s1, s0  }
0xbd: {  	s0 =	sadd.s32 $0x8F2B, s0  }
0xbe: {  	[sflag:s0] =	ssyncadd.remote.s32 $0x1  }
0xbf: {  	_ =	sfence.sel $0xFFFF  }
0xc0: {  	[dreg:$0x0] =	wrdreg $0xFFFFFFFF;
	(pc) =	sbr.abs _section_cstart, $3  }
0xc1: {  	[dreg:$0x1] =	wrdreg $0xFFFFFFFF  }
0xc2: {  	_ =	task.clear_ibuf [dreg:s8], $0x2FFFF;
	_ =	strace $0x9FFFFFFF  }
0xc3: {  	(tm) =	ssettm $0x7FFFFFFF  }
tec
execute0_lowered:
.L_overlay_start_1:
0x0: {  	(tag) =	ssettag $0x1  }
0x1: {  	s0 =	rddreg [dreg:$0x0]  }
0x2: {  	s1 =	rddreg [dreg:$0x1]  }
0x3: {  	s2 =	srdreg.scid;
	s3 =	stileid.u32  }
0x4: {  	s4 =	simm.s32 $0x0;
	s28 =	simm.s32 $0x2000;
	s29 =	simm.s32 $0x3  }
0x5: {  	s30 =	simm.s32 $0x2;
	s31 =	simm.s32 $0x0;
	s2 =	sand.u32 $0x1, s2  }
0x6: {  	s3 =	sshll.u32 s3, $0x1;
	[smem:$0x7FF] =	sst s4;
	s19 =	sadd.s32 $0x200, s1  }
0x7: {  	s20 =	sadd.s32 $0x210, s1;
	s21 =	sadd.s32 $0x220, s1;
	s1 =	sadd.s32 $0x230, s1  }
0x8: {  	s3 =	sor.u32 s2, s3;
	_ =	strace $0x80000047;
	s2 =	ssub.s32 $0x2, s2  }
0x9: {  	s22 =	sshll.u32 s3, $0x7;
	s5 =	sshrl.u32 s2, $0x1;
	s6 =	sshll.u32 s3, $0xE  }
0xa: {  	s3 =	sshll.u32 s3, $0x11;
	s8 =	sor.u32 $0x20, s22;
	s2 =	ssub.s32 s2, s5  }
0xb: {  	s23 =	sadd.s32 s0, s6;
	s6 =	sadd.s32 s3, s20;
	s7 =	sadd.s32 s3, s21  }
0xc: {  	s14 =	sor.u32 $0x40, s22;
	s25 =	sor.u32 $0x60, s22;
	[dreg:$0x3] =	wrdreg s23  }
0xd: {  	s24 =	sshll.u32 s8, $0x7;
	s9 =	sshll.u32 s14, $0x7;
	s13 =	sshll.u32 s8, $0xA  }
0xe: {  	s8 =	sadd.s32 s3, s1;
	s4 =	sshll.u32 s25, $0x7;
	s18 =	sshll.u32 s14, $0xA  }
0xf: {  	s26 =	sshll.u32 s25, $0xA;
	s23 =	smax.u32 s2, $0x1;
	s25 =	simm.s32 $0x1  }
0x10: {  	s5 =	sadd.s32 s0, s24;
	s9 =	sadd.s32 s0, s9;
	s10 =	sadd.s32 s13, s19  }
0x11: {  	s11 =	sadd.s32 s13, s20;
	s12 =	sadd.s32 s13, s21;
	s13 =	sadd.s32 s13, s1  }
0x12: {  	s14 =	sadd.s32 s0, s4;
	s15 =	sadd.s32 s18, s19;
	s16 =	sadd.s32 s18, s20  }
0x13: {  	s17 =	sadd.s32 s18, s21;
	s18 =	sadd.s32 s18, s1;
	s20 =	sadd.s32 s26, s20  }
0x14: {  	s21 =	sadd.s32 s26, s21;
	s22 =	sadd.s32 s26, s1;
	[dreg:$0x4] =	wrdreg s5  }
0x15: {  	s5 =	sadd.s32 s3, s19;
	s19 =	sadd.s32 s26, s19;
	s26 =	simm.s32 $0x80  }
.LBB2_1:
0x16: {  	s0 =	simm.s32 $0x0;
	s1 =	rddreg [dreg:$0x3]  }
0x17: {  	[tilespmem:s0], [sflag:$0x1] =	stream.linear.gather [hbm4b:s1+s0], $0x8000, $0x38;
	[tilespmem:$0x10000] =	vst v63  }
0x18: {  	s24 =	rddreg [dreg:$0x4];
	s2 =	simm.s32 $0x8000  }
0x19: {  	[tilespmem:s2], [sflag:$0x2] =	stream.linear.gather [hbm4b:s24+s0], $0x8000, $0x38;
	[tilespmem:$0x10000] =	vst v63  }
0x1a: {  	_ =	swait.ge [sflag:s25], $0x8000  }
0x1b: {  	[sflag:s25] =	ssyncset.done $0x0  }
0x1c: {  	s1 =	simm.s32 $0x0;
	[sflag:s25] =	ssyncadd.s32 $0xFFFF8000  }
0x1d: {  	[hbm4b:s5+s26] =	stream.strided.scatter [tilespmem:s1], [sflag:$0x3], $0x400, s28, s26, $0x38;
	[tilespmem:$0x10000] =	vst v63  }
0x1e: {  	s3 =	sadd.s32 $0x40, s5;
	s2 =	simm.s32 $0x400  }
0x1f: {  	[hbm4b:s3+s26] =	stream.strided.scatter [tilespmem:s2], [sflag:$0x3], $0x400, s28, s26, $0x38;
	[tilespmem:$0x10000] =	vst v63  }
0x20: {  	s4 =	simm.s32 $0x800;
	s24 =	sadd.s32 $0x80, s5  }
0x21: {  	[hbm4b:s24+s26] =	stream.strided.scatter [tilespmem:s4], [sflag:$0x3], $0x400, s28, s26, $0x38;
	[tilespmem:$0x10000] =	vst v63  }
0x22: {  	s0 =	simm.s32 $0x8000;
	s2 =	simm.s32 $0xC00;
	s3 =	sadd.s32 $0xC0, s5  }
0x23: {  	[hbm4b:s3+s26] =	stream.strided.scatter [tilespmem:s2], [sflag:$0x3], $0x400, s28, s26, $0x38;
	[tilespmem:$0x10000] =	vst v63  }
0x24: {  	s1 =	sadd.s32 $0x2000, s5;
	s4 =	simm.s32 $0x1000;
	s24 =	sadd.s32 $0x100, s5  }
0x25: {  	[hbm4b:s24+s26] =	stream.strided.scatter [tilespmem:s4], [sflag:$0x3], $0x400, s28, s26, $0x38;
	[tilespmem:$0x10000] =	vst v63  }
0x26: {  	s2 =	simm.s32 $0x1400;
	s3 =	sadd.s32 $0x140, s5;
	s4 =	simm.s32 $0x1800  }
0x27: {  	[hbm4b:s3+s26] =	stream.strided.scatter [tilespmem:s2], [sflag:$0x3], $0x400, s28, s26, $0x38;
	[tilespmem:$0x10000] =	vst v63  }
0x28: {  	s24 =	sadd.s32 $0x180, s5;
	s2 =	simm.s32 $0x1C00;
	s3 =	sadd.s32 $0x1C0, s5  }
0x29: {  	[hbm4b:s24+s26] =	stream.strided.scatter [tilespmem:s4], [sflag:$0x3], $0x400, s28, s26, $0x38;
	[tilespmem:$0x10000] =	vst v63  }
.LBB2_2:
0x2a: {  	[hbm4b:s3+s26] =	stream.strided.scatter [tilespmem:s2], [sflag:$0x3], $0x400, s28, s26, $0x38;
	[tilespmem:$0x10000] =	vst v63  }
0x2b: {  	s2 =	sshra.s32 s0, $0x2;
	p0 =	sne.s32 s0, $0x18000;
	s0 =	sadd.s32 $0x8000, s0  }
0x2c: {  	[hbm4b:s1+s26] =	stream.strided.scatter [tilespmem:s2], [sflag:$0x3], $0x400, s28, s26, $0x38;
	[tilespmem:$0x10000] =	vst v63  }
0x2d: {  	s4 =	sadd.s32 $0x40, s1;
	s3 =	sadd.s32 $0x400, s2  }
0x2e: {  	[hbm4b:s4+s26] =	stream.strided.scatter [tilespmem:s3], [sflag:$0x3], $0x400, s28, s26, $0x38;
	[tilespmem:$0x10000] =	vst v63  }
0x2f: {  	s3 =	sadd.s32 $0x800, s2;
	s4 =	sadd.s32 $0x80, s1  }
0x30: {  	[hbm4b:s4+s26] =	stream.strided.scatter [tilespmem:s3], [sflag:$0x3], $0x400, s28, s26, $0x38;
	[tilespmem:$0x10000] =	vst v63  }
0x31: {  	s3 =	sadd.s32 $0xC00, s2;
	s4 =	sadd.s32 $0xC0, s1  }
0x32: {  	[hbm4b:s4+s26] =	stream.strided.scatter [tilespmem:s3], [sflag:$0x3], $0x400, s28, s26, $0x38;
	[tilespmem:$0x10000] =	vst v63  }
0x33: {  	s3 =	sadd.s32 $0x1000, s2;
	s4 =	sadd.s32 $0x100, s1  }
0x34: {  	[hbm4b:s4+s26] =	stream.strided.scatter [tilespmem:s3], [sflag:$0x3], $0x400, s28, s26, $0x38;
	[tilespmem:$0x10000] =	vst v63  }
.Ltmp0:
0x35: {  	s3 =	sadd.s32 $0x1400, s2;
	s4 =	sadd.s32 $0x140, s1;
	(pc) =	sbr.rel @p0 .LBB2_2-.Ltmp0, $4  }
0x36: {  	[hbm4b:s4+s26] =	stream.strided.scatter [tilespmem:s3], [sflag:$0x3], $0x400, s28, s26, $0x38;
	[tilespmem:$0x10000] =	vst v63  }
0x37: {  	s3 =	sadd.s32 $0x1800, s2;
	s4 =	sadd.s32 $0x180, s1  }
0x38: {  	[hbm4b:s4+s26] =	stream.strided.scatter [tilespmem:s3], [sflag:$0x3], $0x400, s28, s26, $0x38;
	[tilespmem:$0x10000] =	vst v63  }
0x39: {  	s2 =	sadd.s32 $0x1C00, s2;
	s3 =	sadd.s32 $0x1C0, s1;
	s1 =	sadd.s32 $0x2000, s1  }
0x3a: {  	[hbm4b:s3+s26] =	stream.strided.scatter [tilespmem:s2], [sflag:$0x3], $0x400, s28, s26, $0x38;
	[tilespmem:$0x10000] =	vst v63  }
0x3b: {  	s0 =	simm.s32 $0x0  }
0x3c: {  	[hbm4b:s6+s26] =	stream.strided.scatter [tilespmem:s0], [sflag:$0x3], $0x400, s28, s26, $0x38;
	[tilespmem:$0x10000] =	vst v63  }
0x3d: {  	s3 =	simm.s32 $0x400;
	s1 =	sadd.s32 $0x40, s6  }
0x3e: {  	[hbm4b:s1+s26] =	stream.strided.scatter [tilespmem:s3], [sflag:$0x3], $0x400, s28, s26, $0x38;
	[tilespmem:$0x10000] =	vst v63  }
0x3f: {  	s4 =	simm.s32 $0x800;
	s24 =	sadd.s32 $0x80, s6  }
0x40: {  	[hbm4b:s24+s26] =	stream.strided.scatter [tilespmem:s4], [sflag:$0x3], $0x400, s28, s26, $0x38;
	[tilespmem:$0x10000] =	vst v63  }
0x41: {  	s2 =	simm.s32 $0xC00;
	s0 =	simm.s32 $0x8000;
	s3 =	sadd.s32 $0xC0, s6  }
0x42: {  	[hbm4b:s3+s26] =	stream.strided.scatter [tilespmem:s2], [sflag:$0x3], $0x400, s28, s26, $0x38;
	[tilespmem:$0x10000] =	vst v63  }
0x43: {  	s1 =	sadd.s32 $0x2000, s6;
	s4 =	simm.s32 $0x1000;
	s24 =	sadd.s32 $0x100, s6  }
0x44: {  	[hbm4b:s24+s26] =	stream.strided.scatter [tilespmem:s4], [sflag:$0x3], $0x400, s28, s26, $0x38;
	[tilespmem:$0x10000] =	vst v63  }
0x45: {  	s2 =	simm.s32 $0x1400;
	s3 =	sadd.s32 $0x140, s6;
	s4 =	simm.s32 $0x1800  }
0x46: {  	[hbm4b:s3+s26] =	stream.strided.scatter [tilespmem:s2], [sflag:$0x3], $0x400, s28, s26, $0x38;
	[tilespmem:$0x10000] =	vst v63  }
0x47: {  	s24 =	sadd.s32 $0x180, s6;
	s2 =	simm.s32 $0x1C00;
	s3 =	sadd.s32 $0x1C0, s6  }
0x48: {  	[hbm4b:s24+s26] =	stream.strided.scatter [tilespmem:s4], [sflag:$0x3], $0x400, s28, s26, $0x38;
	[tilespmem:$0x10000] =	vst v63  }
.LBB2_4:
0x49: {  	[hbm4b:s3+s26] =	stream.strided.scatter [tilespmem:s2], [sflag:$0x3], $0x400, s28, s26, $0x38;
	[tilespmem:$0x10000] =	vst v63  }
0x4a: {  	s2 =	sshra.s32 s0, $0x2;
	p0 =	sne.s32 s0, $0x18000;
	s0 =	sadd.s32 $0x8000, s0  }
0x4b: {  	[hbm4b:s1+s26] =	stream.strided.scatter [tilespmem:s2], [sflag:$0x3], $0x400, s28, s26, $0x38;
	[tilespmem:$0x10000] =	vst v63  }
0x4c: {  	s4 =	sadd.s32 $0x40, s1;
	s3 =	sadd.s32 $0x400, s2  }
0x4d: {  	[hbm4b:s4+s26] =	stream.strided.scatter [tilespmem:s3], [sflag:$0x3], $0x400, s28, s26, $0x38;
	[tilespmem:$0x10000] =	vst v63  }
0x4e: {  	s3 =	sadd.s32 $0x800, s2;
	s4 =	sadd.s32 $0x80, s1  }
0x4f: {  	[hbm4b:s4+s26] =	stream.strided.scatter [tilespmem:s3], [sflag:$0x3], $0x400, s28, s26, $0x38;
	[tilespmem:$0x10000] =	vst v63  }
0x50: {  	s3 =	sadd.s32 $0xC00, s2;
	s4 =	sadd.s32 $0xC0, s1  }
0x51: {  	[hbm4b:s4+s26] =	stream.strided.scatter [tilespmem:s3], [sflag:$0x3], $0x400, s28, s26, $0x38;
	[tilespmem:$0x10000] =	vst v63  }
0x52: {  	s3 =	sadd.s32 $0x1000, s2;
	s4 =	sadd.s32 $0x100, s1  }
0x53: {  	[hbm4b:s4+s26] =	stream.strided.scatter [tilespmem:s3], [sflag:$0x3], $0x400, s28, s26, $0x38;
	[tilespmem:$0x10000] =	vst v63  }
.Ltmp1:
0x54: {  	s3 =	sadd.s32 $0x1400, s2;
	s4 =	sadd.s32 $0x140, s1;
	(pc) =	sbr.rel @p0 .LBB2_4-.Ltmp1, $4  }
0x55: {  	[hbm4b:s4+s26] =	stream.strided.scatter [tilespmem:s3], [sflag:$0x3], $0x400, s28, s26, $0x38;
	[tilespmem:$0x10000] =	vst v63  }
0x56: {  	s3 =	sadd.s32 $0x1800, s2;
	s4 =	sadd.s32 $0x180, s1  }
0x57: {  	[hbm4b:s4+s26] =	stream.strided.scatter [tilespmem:s3], [sflag:$0x3], $0x400, s28, s26, $0x38;
	[tilespmem:$0x10000] =	vst v63  }
0x58: {  	s2 =	sadd.s32 $0x1C00, s2;
	s3 =	sadd.s32 $0x1C0, s1;
	s1 =	sadd.s32 $0x2000, s1  }
0x59: {  	[hbm4b:s3+s26] =	stream.strided.scatter [tilespmem:s2], [sflag:$0x3], $0x400, s28, s26, $0x38;
	[tilespmem:$0x10000] =	vst v63  }
0x5a: {  	s0 =	simm.s32 $0x0  }
0x5b: {  	[hbm4b:s7+s26] =	stream.strided.scatter [tilespmem:s0], [sflag:$0x3], $0x400, s28, s26, $0x38;
	[tilespmem:$0x10000] =	vst v63  }
0x5c: {  	s3 =	simm.s32 $0x400;
	s1 =	sadd.s32 $0x40, s7  }
0x5d: {  	[hbm4b:s1+s26] =	stream.strided.scatter [tilespmem:s3], [sflag:$0x3], $0x400, s28, s26, $0x38;
	[tilespmem:$0x10000] =	vst v63  }
0x5e: {  	s4 =	simm.s32 $0x800;
	s24 =	sadd.s32 $0x80, s7  }
0x5f: {  	[hbm4b:s24+s26] =	stream.strided.scatter [tilespmem:s4], [sflag:$0x3], $0x400, s28, s26, $0x38;
	[tilespmem:$0x10000] =	vst v63  }
0x60: {  	s2 =	simm.s32 $0xC00;
	s0 =	simm.s32 $0x8000;
	s3 =	sadd.s32 $0xC0, s7  }
0x61: {  	[hbm4b:s3+s26] =	stream.strided.scatter [tilespmem:s2], [sflag:$0x3], $0x400, s28, s26, $0x38;
	[tilespmem:$0x10000] =	vst v63  }
0x62: {  	s1 =	sadd.s32 $0x2000, s7;
	s4 =	simm.s32 $0x1000;
	s24 =	sadd.s32 $0x100, s7  }
0x63: {  	[hbm4b:s24+s26] =	stream.strided.scatter [tilespmem:s4], [sflag:$0x3], $0x400, s28, s26, $0x38;
	[tilespmem:$0x10000] =	vst v63  }
0x64: {  	s2 =	simm.s32 $0x1400;
	s3 =	sadd.s32 $0x140, s7;
	s4 =	simm.s32 $0x1800  }
0x65: {  	[hbm4b:s3+s26] =	stream.strided.scatter [tilespmem:s2], [sflag:$0x3], $0x400, s28, s26, $0x38;
	[tilespmem:$0x10000] =	vst v63  }
0x66: {  	s24 =	sadd.s32 $0x180, s7;
	s2 =	simm.s32 $0x1C00;
	s3 =	sadd.s32 $0x1C0, s7  }
0x67: {  	[hbm4b:s24+s26] =	stream.strided.scatter [tilespmem:s4], [sflag:$0x3], $0x400, s28, s26, $0x38;
	[tilespmem:$0x10000] =	vst v63  }
.LBB2_6:
0x68: {  	[hbm4b:s3+s26] =	stream.strided.scatter [tilespmem:s2], [sflag:$0x3], $0x400, s28, s26, $0x38;
	[tilespmem:$0x10000] =	vst v63  }
0x69: {  	s2 =	sshra.s32 s0, $0x2;
	p0 =	sne.s32 s0, $0x18000;
	s0 =	sadd.s32 $0x8000, s0  }
0x6a: {  	[hbm4b:s1+s26] =	stream.strided.scatter [tilespmem:s2], [sflag:$0x3], $0x400, s28, s26, $0x38;
	[tilespmem:$0x10000] =	vst v63  }
0x6b: {  	s4 =	sadd.s32 $0x40, s1;
	s3 =	sadd.s32 $0x400, s2  }
0x6c: {  	[hbm4b:s4+s26] =	stream.strided.scatter [tilespmem:s3], [sflag:$0x3], $0x400, s28, s26, $0x38;
	[tilespmem:$0x10000] =	vst v63  }
0x6d: {  	s3 =	sadd.s32 $0x800, s2;
	s4 =	sadd.s32 $0x80, s1  }
0x6e: {  	[hbm4b:s4+s26] =	stream.strided.scatter [tilespmem:s3], [sflag:$0x3], $0x400, s28, s26, $0x38;
	[tilespmem:$0x10000] =	vst v63  }
0x6f: {  	s3 =	sadd.s32 $0xC00, s2;
	s4 =	sadd.s32 $0xC0, s1  }
0x70: {  	[hbm4b:s4+s26] =	stream.strided.scatter [tilespmem:s3], [sflag:$0x3], $0x400, s28, s26, $0x38;
	[tilespmem:$0x10000] =	vst v63  }
0x71: {  	s3 =	sadd.s32 $0x1000, s2;
	s4 =	sadd.s32 $0x100, s1  }
0x72: {  	[hbm4b:s4+s26] =	stream.strided.scatter [tilespmem:s3], [sflag:$0x3], $0x400, s28, s26, $0x38;
	[tilespmem:$0x10000] =	vst v63  }
.Ltmp2:
0x73: {  	s3 =	sadd.s32 $0x1400, s2;
	s4 =	sadd.s32 $0x140, s1;
	(pc) =	sbr.rel @p0 .LBB2_6-.Ltmp2, $4  }
0x74: {  	[hbm4b:s4+s26] =	stream.strided.scatter [tilespmem:s3], [sflag:$0x3], $0x400, s28, s26, $0x38;
	[tilespmem:$0x10000] =	vst v63  }
0x75: {  	s3 =	sadd.s32 $0x1800, s2;
	s4 =	sadd.s32 $0x180, s1  }
0x76: {  	[hbm4b:s4+s26] =	stream.strided.scatter [tilespmem:s3], [sflag:$0x3], $0x400, s28, s26, $0x38;
	[tilespmem:$0x10000] =	vst v63  }
0x77: {  	s2 =	sadd.s32 $0x1C00, s2;
	s3 =	sadd.s32 $0x1C0, s1;
	s1 =	sadd.s32 $0x2000, s1  }
0x78: {  	[hbm4b:s3+s26] =	stream.strided.scatter [tilespmem:s2], [sflag:$0x3], $0x400, s28, s26, $0x38;
	[tilespmem:$0x10000] =	vst v63  }
0x79: {  	s0 =	simm.s32 $0x0  }
0x7a: {  	[hbm4b:s8+s26] =	stream.strided.scatter [tilespmem:s0], [sflag:$0x3], $0x400, s28, s26, $0x38;
	[tilespmem:$0x10000] =	vst v63  }
0x7b: {  	s3 =	simm.s32 $0x400;
	s1 =	sadd.s32 $0x40, s8  }
0x7c: {  	[hbm4b:s1+s26] =	stream.strided.scatter [tilespmem:s3], [sflag:$0x3], $0x400, s28, s26, $0x38;
	[tilespmem:$0x10000] =	vst v63  }
0x7d: {  	s4 =	simm.s32 $0x800;
	s24 =	sadd.s32 $0x80, s8  }
0x7e: {  	[hbm4b:s24+s26] =	stream.strided.scatter [tilespmem:s4], [sflag:$0x3], $0x400, s28, s26, $0x38;
	[tilespmem:$0x10000] =	vst v63  }
0x7f: {  	s2 =	simm.s32 $0xC00;
	s0 =	simm.s32 $0x8000;
	s3 =	sadd.s32 $0xC0, s8  }
0x80: {  	[hbm4b:s3+s26] =	stream.strided.scatter [tilespmem:s2], [sflag:$0x3], $0x400, s28, s26, $0x38;
	[tilespmem:$0x10000] =	vst v63  }
0x81: {  	s1 =	sadd.s32 $0x2000, s8;
	s4 =	simm.s32 $0x1000;
	s24 =	sadd.s32 $0x100, s8  }
0x82: {  	[hbm4b:s24+s26] =	stream.strided.scatter [tilespmem:s4], [sflag:$0x3], $0x400, s28, s26, $0x38;
	[tilespmem:$0x10000] =	vst v63  }
0x83: {  	s2 =	simm.s32 $0x1400;
	s3 =	sadd.s32 $0x140, s8;
	s4 =	simm.s32 $0x1800  }
0x84: {  	[hbm4b:s3+s26] =	stream.strided.scatter [tilespmem:s2], [sflag:$0x3], $0x400, s28, s26, $0x38;
	[tilespmem:$0x10000] =	vst v63  }
0x85: {  	s24 =	sadd.s32 $0x180, s8;
	s2 =	simm.s32 $0x1C00;
	s3 =	sadd.s32 $0x1C0, s8  }
0x86: {  	[hbm4b:s24+s26] =	stream.strided.scatter [tilespmem:s4], [sflag:$0x3], $0x400, s28, s26, $0x38;
	[tilespmem:$0x10000] =	vst v63  }
.LBB2_8:
0x87: {  	[hbm4b:s3+s26] =	stream.strided.scatter [tilespmem:s2], [sflag:$0x3], $0x400, s28, s26, $0x38;
	[tilespmem:$0x10000] =	vst v63  }
0x88: {  	s2 =	sshra.s32 s0, $0x2;
	p0 =	sne.s32 s0, $0x18000;
	s0 =	sadd.s32 $0x8000, s0  }
0x89: {  	[hbm4b:s1+s26] =	stream.strided.scatter [tilespmem:s2], [sflag:$0x3], $0x400, s28, s26, $0x38;
	[tilespmem:$0x10000] =	vst v63  }
0x8a: {  	s4 =	sadd.s32 $0x40, s1;
	s3 =	sadd.s32 $0x400, s2  }
0x8b: {  	[hbm4b:s4+s26] =	stream.strided.scatter [tilespmem:s3], [sflag:$0x3], $0x400, s28, s26, $0x38;
	[tilespmem:$0x10000] =	vst v63  }
0x8c: {  	s3 =	sadd.s32 $0x800, s2;
	s4 =	sadd.s32 $0x80, s1  }
0x8d: {  	[hbm4b:s4+s26] =	stream.strided.scatter [tilespmem:s3], [sflag:$0x3], $0x400, s28, s26, $0x38;
	[tilespmem:$0x10000] =	vst v63  }
0x8e: {  	s3 =	sadd.s32 $0xC00, s2;
	s4 =	sadd.s32 $0xC0, s1  }
0x8f: {  	[hbm4b:s4+s26] =	stream.strided.scatter [tilespmem:s3], [sflag:$0x3], $0x400, s28, s26, $0x38;
	[tilespmem:$0x10000] =	vst v63  }
0x90: {  	s3 =	sadd.s32 $0x1000, s2;
	s4 =	sadd.s32 $0x100, s1  }
0x91: {  	[hbm4b:s4+s26] =	stream.strided.scatter [tilespmem:s3], [sflag:$0x3], $0x400, s28, s26, $0x38;
	[tilespmem:$0x10000] =	vst v63  }
.Ltmp3:
0x92: {  	s3 =	sadd.s32 $0x1400, s2;
	s4 =	sadd.s32 $0x140, s1;
	(pc) =	sbr.rel @p0 .LBB2_8-.Ltmp3, $4  }
0x93: {  	[hbm4b:s4+s26] =	stream.strided.scatter [tilespmem:s3], [sflag:$0x3], $0x400, s28, s26, $0x38;
	[tilespmem:$0x10000] =	vst v63  }
0x94: {  	s3 =	sadd.s32 $0x1800, s2;
	s4 =	sadd.s32 $0x180, s1  }
0x95: {  	[hbm4b:s4+s26] =	stream.strided.scatter [tilespmem:s3], [sflag:$0x3], $0x400, s28, s26, $0x38;
	[tilespmem:$0x10000] =	vst v63  }
0x96: {  	s2 =	sadd.s32 $0x1C00, s2;
	s3 =	sadd.s32 $0x1C0, s1;
	s1 =	sadd.s32 $0x2000, s1  }
0x97: {  	[hbm4b:s3+s26] =	stream.strided.scatter [tilespmem:s2], [sflag:$0x3], $0x400, s28, s26, $0x38;
	[tilespmem:$0x10000] =	vst v63  }
0x98: {  	_ =	swait.ge [sflag:s29], $0x8000  }
0x99: {  	[sflag:s29] =	ssyncset.done $0x0  }
0x9a: {  	[sflag:s29] =	ssyncadd.s32 $0xFFFF8000  }
0x9b: {  	_ =	swait.ge [sflag:s29], $0x8000  }
0x9c: {  	[sflag:s29] =	ssyncset.done $0x0  }
0x9d: {  	[sflag:s29] =	ssyncadd.s32 $0xFFFF8000  }
0x9e: {  	_ =	swait.ge [sflag:s29], $0x8000  }
0x9f: {  	[sflag:s29] =	ssyncset.done $0x0  }
0xa0: {  	[sflag:s29] =	ssyncadd.s32 $0xFFFF8000  }
0xa1: {  	_ =	swait.ge [sflag:s29], $0x8000  }
0xa2: {  	[sflag:s29] =	ssyncset.done $0x0  }
0xa3: {  	s0 =	simm.s32 $0x0;
	[sflag:s29] =	ssyncadd.s32 $0xFFFF8000  }
0xa4: {  	[tilespmem:s0], [sflag:$0x1] =	stream.linear.gather [hbm4b:s9+s0], $0x8000, $0x38;
	[tilespmem:$0x10000] =	vst v63  }
0xa5: {  	_ =	swait.ge [sflag:s30], $0x8000  }
0xa6: {  	[sflag:s30] =	ssyncset.done $0x0  }
0xa7: {  	s2 =	simm.s32 $0x8000;
	[sflag:s30] =	ssyncadd.s32 $0xFFFF8000  }
0xa8: {  	[hbm4b:s10+s26] =	stream.strided.scatter [tilespmem:s2], [sflag:$0x3], $0x400, s28, s26, $0x38;
	[tilespmem:$0x10000] =	vst v63  }
0xa9: {  	s3 =	simm.s32 $0x8400;
	s1 =	sadd.s32 $0x40, s10  }
0xaa: {  	[hbm4b:s1+s26] =	stream.strided.scatter [tilespmem:s3], [sflag:$0x3], $0x400, s28, s26, $0x38;
	[tilespmem:$0x10000] =	vst v63  }
0xab: {  	s4 =	simm.s32 $0x8800;
	s24 =	sadd.s32 $0x80, s10  }
0xac: {  	[hbm4b:s24+s26] =	stream.strided.scatter [tilespmem:s4], [sflag:$0x3], $0x400, s28, s26, $0x38;
	[tilespmem:$0x10000] =	vst v63  }
0xad: {  	s2 =	simm.s32 $0x8C00;
	s3 =	sadd.s32 $0xC0, s10  }
0xae: {  	[hbm4b:s3+s26] =	stream.strided.scatter [tilespmem:s2], [sflag:$0x3], $0x400, s28, s26, $0x38;
	[tilespmem:$0x10000] =	vst v63  }
0xaf: {  	s4 =	simm.s32 $0x9000;
	s24 =	sadd.s32 $0x100, s10  }
0xb0: {  	[hbm4b:s24+s26] =	stream.strided.scatter [tilespmem:s4], [sflag:$0x3], $0x400, s28, s26, $0x38;
	[tilespmem:$0x10000] =	vst v63  }
0xb1: {  	s0 =	simm.s32 $0x2000;
	s2 =	simm.s32 $0x9400;
	s3 =	sadd.s32 $0x140, s10  }
0xb2: {  	[hbm4b:s3+s26] =	stream.strided.scatter [tilespmem:s2], [sflag:$0x3], $0x400, s28, s26, $0x38;
	[tilespmem:$0x10000] =	vst v63  }
0xb3: {  	s1 =	sadd.s32 $0x2000, s10;
	s4 =	simm.s32 $0x9800;
	s24 =	sadd.s32 $0x180, s10  }
0xb4: {  	[hbm4b:s24+s26] =	stream.strided.scatter [tilespmem:s4], [sflag:$0x3], $0x400, s28, s26, $0x38;
	[tilespmem:$0x10000] =	vst v63  }
0xb5: {  	s2 =	simm.s32 $0x10000;
	s3 =	simm.s32 $0x9C00;
	s4 =	sadd.s32 $0x1C0, s10  }
.LBB2_10:
0xb6: {  	[hbm4b:s4+s26] =	stream.strided.scatter [tilespmem:s3], [sflag:$0x3], $0x400, s28, s26, $0x38;
	[tilespmem:$0x10000] =	vst v63  }
0xb7: {  	s3 =	smov.u32 s0;
	s0 =	smov.u32 s2  }
0xb8: {  	s24 =	sadd.s32 $0x8000, s2;
	s0 =	sshra.s32 s0, $0x2;
	s4 =	sadd.s32 $0x8000, s3  }
0xb9: {  	[hbm4b:s1+s26] =	stream.strided.scatter [tilespmem:s4], [sflag:$0x3], $0x400, s28, s26, $0x38;
	[tilespmem:$0x10000] =	vst v63  }
0xba: {  	p0 =	sne.s32 s2, $0x18000;
	s2 =	sadd.s32 $0x8400, s3;
	s4 =	sadd.s32 $0x40, s1  }
0xbb: {  	[hbm4b:s4+s26] =	stream.strided.scatter [tilespmem:s2], [sflag:$0x3], $0x400, s28, s26, $0x38;
	[tilespmem:$0x10000] =	vst v63  }
0xbc: {  	s2 =	sadd.s32 $0x8800, s3;
	s4 =	sadd.s32 $0x80, s1  }
0xbd: {  	[hbm4b:s4+s26] =	stream.strided.scatter [tilespmem:s2], [sflag:$0x3], $0x400, s28, s26, $0x38;
	[tilespmem:$0x10000] =	vst v63  }
0xbe: {  	s2 =	sadd.s32 $0x8C00, s3;
	s4 =	sadd.s32 $0xC0, s1  }
0xbf: {  	[hbm4b:s4+s26] =	stream.strided.scatter [tilespmem:s2], [sflag:$0x3], $0x400, s28, s26, $0x38;
	[tilespmem:$0x10000] =	vst v63  }
0xc0: {  	s2 =	sadd.s32 $0x9000, s3;
	s4 =	sadd.s32 $0x100, s1  }
0xc1: {  	[hbm4b:s4+s26] =	stream.strided.scatter [tilespmem:s2], [sflag:$0x3], $0x400, s28, s26, $0x38;
	[tilespmem:$0x10000] =	vst v63  }
.Ltmp4:
0xc2: {  	s2 =	sadd.s32 $0x9400, s3;
	s4 =	sadd.s32 $0x140, s1;
	(pc) =	sbr.rel @p0 .LBB2_10-.Ltmp4, $4  }
0xc3: {  	[hbm4b:s4+s26] =	stream.strided.scatter [tilespmem:s2], [sflag:$0x3], $0x400, s28, s26, $0x38;
	[tilespmem:$0x10000] =	vst v63  }
0xc4: {  	s2 =	sadd.s32 $0x9800, s3;
	s4 =	sadd.s32 $0x180, s1;
	s3 =	sadd.s32 $0x9C00, s3  }
0xc5: {  	[hbm4b:s4+s26] =	stream.strided.scatter [tilespmem:s2], [sflag:$0x3], $0x400, s28, s26, $0x38;
	[tilespmem:$0x10000] =	vst v63  }
0xc6: {  	s4 =	sadd.s32 $0x1C0, s1;
	s1 =	sadd.s32 $0x2000, s1;
	s2 =	smov.u32 s24  }
0xc7: {  	[hbm4b:s4+s26] =	stream.strided.scatter [tilespmem:s3], [sflag:$0x3], $0x400, s28, s26, $0x38;
	[tilespmem:$0x10000] =	vst v63  }
0xc8: {  	s2 =	sadd.s32 $0x8000, s0  }
0xc9: {  	[hbm4b:s1+s26] =	stream.strided.scatter [tilespmem:s2], [sflag:$0x3], $0x400, s28, s26, $0x38;
	[tilespmem:$0x10000] =	vst v63  }
0xca: {  	s4 =	sadd.s32 $0x8400, s0;
	s24 =	sadd.s32 $0x40, s1  }
0xcb: {  	[hbm4b:s24+s26] =	stream.strided.scatter [tilespmem:s4], [sflag:$0x3], $0x400, s28, s26, $0x38;
	[tilespmem:$0x10000] =	vst v63  }
0xcc: {  	s4 =	sadd.s32 $0x8800, s0;
	s24 =	sadd.s32 $0x80, s1  }
0xcd: {  	[hbm4b:s24+s26] =	stream.strided.scatter [tilespmem:s4], [sflag:$0x3], $0x400, s28, s26, $0x38;
	[tilespmem:$0x10000] =	vst v63  }
0xce: {  	s4 =	sadd.s32 $0x8C00, s0;
	s24 =	sadd.s32 $0xC0, s1  }
0xcf: {  	[hbm4b:s24+s26] =	stream.strided.scatter [tilespmem:s4], [sflag:$0x3], $0x400, s28, s26, $0x38;
	[tilespmem:$0x10000] =	vst v63  }
0xd0: {  	s4 =	sadd.s32 $0x9000, s0;
	s24 =	sadd.s32 $0x100, s1  }
0xd1: {  	[hbm4b:s24+s26] =	stream.strided.scatter [tilespmem:s4], [sflag:$0x3], $0x400, s28, s26, $0x38;
	[tilespmem:$0x10000] =	vst v63  }
0xd2: {  	s4 =	sadd.s32 $0x9400, s0;
	s24 =	sadd.s32 $0x140, s1  }
0xd3: {  	[hbm4b:s24+s26] =	stream.strided.scatter [tilespmem:s4], [sflag:$0x3], $0x400, s28, s26, $0x38;
	[tilespmem:$0x10000] =	vst v63  }
0xd4: {  	s4 =	sadd.s32 $0x9800, s0;
	s24 =	sadd.s32 $0x180, s1  }
0xd5: {  	[hbm4b:s24+s26] =	stream.strided.scatter [tilespmem:s4], [sflag:$0x3], $0x400, s28, s26, $0x38;
	[tilespmem:$0x10000] =	vst v63  }
0xd6: {  	s4 =	sadd.s32 $0x9C00, s0;
	s24 =	sadd.s32 $0x1C0, s1  }
0xd7: {  	[hbm4b:s24+s26] =	stream.strided.scatter [tilespmem:s4], [sflag:$0x3], $0x400, s28, s26, $0x38;
	[tilespmem:$0x10000] =	vst v63  }
0xd8: {  	s1 =	simm.s32 $0x8000  }
0xd9: {  	[hbm4b:s11+s26] =	stream.strided.scatter [tilespmem:s1], [sflag:$0x3], $0x400, s28, s26, $0x38;
	[tilespmem:$0x10000] =	vst v63  }
0xda: {  	s3 =	sadd.s32 $0x40, s11;
	s2 =	simm.s32 $0x8400  }
0xdb: {  	[hbm4b:s3+s26] =	stream.strided.scatter [tilespmem:s2], [sflag:$0x3], $0x400, s28, s26, $0x38;
	[tilespmem:$0x10000] =	vst v63  }
0xdc: {  	s4 =	simm.s32 $0x8800;
	s24 =	sadd.s32 $0x80, s11  }
0xdd: {  	[hbm4b:s24+s26] =	stream.strided.scatter [tilespmem:s4], [sflag:$0x3], $0x400, s28, s26, $0x38;
	[tilespmem:$0x10000] =	vst v63  }
0xde: {  	s2 =	simm.s32 $0x8C00;
	s3 =	sadd.s32 $0xC0, s11  }
0xdf: {  	[hbm4b:s3+s26] =	stream.strided.scatter [tilespmem:s2], [sflag:$0x3], $0x400, s28, s26, $0x38;
	[tilespmem:$0x10000] =	vst v63  }
0xe0: {  	s4 =	simm.s32 $0x9000;
	s24 =	sadd.s32 $0x100, s11  }
0xe1: {  	[hbm4b:s24+s26] =	stream.strided.scatter [tilespmem:s4], [sflag:$0x3], $0x400, s28, s26, $0x38;
	[tilespmem:$0x10000] =	vst v63  }
0xe2: {  	s0 =	simm.s32 $0x2000;
	s2 =	simm.s32 $0x9400;
	s3 =	sadd.s32 $0x140, s11  }
0xe3: {  	[hbm4b:s3+s26] =	stream.strided.scatter [tilespmem:s2], [sflag:$0x3], $0x400, s28, s26, $0x38;
	[tilespmem:$0x10000] =	vst v63  }
0xe4: {  	s1 =	sadd.s32 $0x2000, s11;
	s4 =	simm.s32 $0x9800;
	s24 =	sadd.s32 $0x180, s11  }
0xe5: {  	[hbm4b:s24+s26] =	stream.strided.scatter [tilespmem:s4], [sflag:$0x3], $0x400, s28, s26, $0x38;
	[tilespmem:$0x10000] =	vst v63  }
0xe6: {  	s2 =	simm.s32 $0x10000;
	s3 =	simm.s32 $0x9C00;
	s4 =	sadd.s32 $0x1C0, s11  }
.LBB2_12:
0xe7: {  	[hbm4b:s4+s26] =	stream.strided.scatter [tilespmem:s3], [sflag:$0x3], $0x400, s28, s26, $0x38;
	[tilespmem:$0x10000] =	vst v63  }
0xe8: {  	s3 =	smov.u32 s0;
	s0 =	smov.u32 s2  }
0xe9: {  	s24 =	sadd.s32 $0x8000, s2;
	s0 =	sshra.s32 s0, $0x2;
	s4 =	sadd.s32 $0x8000, s3  }
0xea: {  	[hbm4b:s1+s26] =	stream.strided.scatter [tilespmem:s4], [sflag:$0x3], $0x400, s28, s26, $0x38;
	[tilespmem:$0x10000] =	vst v63  }
0xeb: {  	p0 =	sne.s32 s2, $0x18000;
	s2 =	sadd.s32 $0x8400, s3;
	s4 =	sadd.s32 $0x40, s1  }
0xec: {  	[hbm4b:s4+s26] =	stream.strided.scatter [tilespmem:s2], [sflag:$0x3], $0x400, s28, s26, $0x38;
	[tilespmem:$0x10000] =	vst v63  }
0xed: {  	s2 =	sadd.s32 $0x8800, s3;
	s4 =	sadd.s32 $0x80, s1  }
0xee: {  	[hbm4b:s4+s26] =	stream.strided.scatter [tilespmem:s2], [sflag:$0x3], $0x400, s28, s26, $0x38;
	[tilespmem:$0x10000] =	vst v63  }
0xef: {  	s2 =	sadd.s32 $0x8C00, s3;
	s4 =	sadd.s32 $0xC0, s1  }
0xf0: {  	[hbm4b:s4+s26] =	stream.strided.scatter [tilespmem:s2], [sflag:$0x3], $0x400, s28, s26, $0x38;
	[tilespmem:$0x10000] =	vst v63  }
0xf1: {  	s2 =	sadd.s32 $0x9000, s3;
	s4 =	sadd.s32 $0x100, s1  }
0xf2: {  	[hbm4b:s4+s26] =	stream.strided.scatter [tilespmem:s2], [sflag:$0x3], $0x400, s28, s26, $0x38;
	[tilespmem:$0x10000] =	vst v63  }
.Ltmp5:
0xf3: {  	s2 =	sadd.s32 $0x9400, s3;
	s4 =	sadd.s32 $0x140, s1;
	(pc) =	sbr.rel @p0 .LBB2_12-.Ltmp5, $4  }
0xf4: {  	[hbm4b:s4+s26] =	stream.strided.scatter [tilespmem:s2], [sflag:$0x3], $0x400, s28, s26, $0x38;
	[tilespmem:$0x10000] =	vst v63  }
0xf5: {  	s2 =	sadd.s32 $0x9800, s3;
	s4 =	sadd.s32 $0x180, s1;
	s3 =	sadd.s32 $0x9C00, s3  }
0xf6: {  	[hbm4b:s4+s26] =	stream.strided.scatter [tilespmem:s2], [sflag:$0x3], $0x400, s28, s26, $0x38;
	[tilespmem:$0x10000] =	vst v63  }
0xf7: {  	s4 =	sadd.s32 $0x1C0, s1;
	s1 =	sadd.s32 $0x2000, s1;
	s2 =	smov.u32 s24  }
0xf8: {  	[hbm4b:s4+s26] =	stream.strided.scatter [tilespmem:s3], [sflag:$0x3], $0x400, s28, s26, $0x38;
	[tilespmem:$0x10000] =	vst v63  }
0xf9: {  	s2 =	sadd.s32 $0x8000, s0  }
0xfa: {  	[hbm4b:s1+s26] =	stream.strided.scatter [tilespmem:s2], [sflag:$0x3], $0x400, s28, s26, $0x38;
	[tilespmem:$0x10000] =	vst v63  }
0xfb: {  	s4 =	sadd.s32 $0x8400, s0;
	s24 =	sadd.s32 $0x40, s1  }
0xfc: {  	[hbm4b:s24+s26] =	stream.strided.scatter [tilespmem:s4], [sflag:$0x3], $0x400, s28, s26, $0x38;
	[tilespmem:$0x10000] =	vst v63  }
0xfd: {  	s4 =	sadd.s32 $0x8800, s0;
	s24 =	sadd.s32 $0x80, s1  }
0xfe: {  	[hbm4b:s24+s26] =	stream.strided.scatter [tilespmem:s4], [sflag:$0x3], $0x400, s28, s26, $0x38;
	[tilespmem:$0x10000] =	vst v63  }
0xff: {  	s4 =	sadd.s32 $0x8C00, s0;
	s24 =	sadd.s32 $0xC0, s1  }
0x100: {  	[hbm4b:s24+s26] =	stream.strided.scatter [tilespmem:s4], [sflag:$0x3], $0x400, s28, s26, $0x38;
	[tilespmem:$0x10000] =	vst v63  }
0x101: {  	s4 =	sadd.s32 $0x9000, s0;
	s24 =	sadd.s32 $0x100, s1  }
0x102: {  	[hbm4b:s24+s26] =	stream.strided.scatter [tilespmem:s4], [sflag:$0x3], $0x400, s28, s26, $0x38;
	[tilespmem:$0x10000] =	vst v63  }
0x103: {  	s4 =	sadd.s32 $0x9400, s0;
	s24 =	sadd.s32 $0x140, s1  }
0x104: {  	[hbm4b:s24+s26] =	stream.strided.scatter [tilespmem:s4], [sflag:$0x3], $0x400, s28, s26, $0x38;
	[tilespmem:$0x10000] =	vst v63  }
0x105: {  	s4 =	sadd.s32 $0x9800, s0;
	s24 =	sadd.s32 $0x180, s1  }
0x106: {  	[hbm4b:s24+s26] =	stream.strided.scatter [tilespmem:s4], [sflag:$0x3], $0x400, s28, s26, $0x38;
	[tilespmem:$0x10000] =	vst v63  }
0x107: {  	s4 =	sadd.s32 $0x9C00, s0;
	s24 =	sadd.s32 $0x1C0, s1  }
0x108: {  	[hbm4b:s24+s26] =	stream.strided.scatter [tilespmem:s4], [sflag:$0x3], $0x400, s28, s26, $0x38;
	[tilespmem:$0x10000] =	vst v63  }
0x109: {  	s1 =	simm.s32 $0x8000  }
0x10a: {  	[hbm4b:s12+s26] =	stream.strided.scatter [tilespmem:s1], [sflag:$0x3], $0x400, s28, s26, $0x38;
	[tilespmem:$0x10000] =	vst v63  }
0x10b: {  	s3 =	sadd.s32 $0x40, s12;
	s2 =	simm.s32 $0x8400  }
0x10c: {  	[hbm4b:s3+s26] =	stream.strided.scatter [tilespmem:s2], [sflag:$0x3], $0x400, s28, s26, $0x38;
	[tilespmem:$0x10000] =	vst v63  }
0x10d: {  	s4 =	simm.s32 $0x8800;
	s24 =	sadd.s32 $0x80, s12  }
0x10e: {  	[hbm4b:s24+s26] =	stream.strided.scatter [tilespmem:s4], [sflag:$0x3], $0x400, s28, s26, $0x38;
	[tilespmem:$0x10000] =	vst v63  }
0x10f: {  	s2 =	simm.s32 $0x8C00;
	s3 =	sadd.s32 $0xC0, s12  }
0x110: {  	[hbm4b:s3+s26] =	stream.strided.scatter [tilespmem:s2], [sflag:$0x3], $0x400, s28, s26, $0x38;
	[tilespmem:$0x10000] =	vst v63  }
0x111: {  	s4 =	simm.s32 $0x9000;
	s24 =	sadd.s32 $0x100, s12  }
0x112: {  	[hbm4b:s24+s26] =	stream.strided.scatter [tilespmem:s4], [sflag:$0x3], $0x400, s28, s26, $0x38;
	[tilespmem:$0x10000] =	vst v63  }
0x113: {  	s0 =	simm.s32 $0x2000;
	s2 =	simm.s32 $0x9400;
	s3 =	sadd.s32 $0x140, s12  }
0x114: {  	[hbm4b:s3+s26] =	stream.strided.scatter [tilespmem:s2], [sflag:$0x3], $0x400, s28, s26, $0x38;
	[tilespmem:$0x10000] =	vst v63  }
0x115: {  	s1 =	sadd.s32 $0x2000, s12;
	s4 =	simm.s32 $0x9800;
	s24 =	sadd.s32 $0x180, s12  }
0x116: {  	[hbm4b:s24+s26] =	stream.strided.scatter [tilespmem:s4], [sflag:$0x3], $0x400, s28, s26, $0x38;
	[tilespmem:$0x10000] =	vst v63  }
0x117: {  	s2 =	simm.s32 $0x10000;
	s3 =	simm.s32 $0x9C00;
	s4 =	sadd.s32 $0x1C0, s12  }
.LBB2_14:
0x118: {  	[hbm4b:s4+s26] =	stream.strided.scatter [tilespmem:s3], [sflag:$0x3], $0x400, s28, s26, $0x38;
	[tilespmem:$0x10000] =	vst v63  }
0x119: {  	s3 =	smov.u32 s0;
	s0 =	smov.u32 s2  }
0x11a: {  	s24 =	sadd.s32 $0x8000, s2;
	s0 =	sshra.s32 s0, $0x2;
	s4 =	sadd.s32 $0x8000, s3  }
0x11b: {  	[hbm4b:s1+s26] =	stream.strided.scatter [tilespmem:s4], [sflag:$0x3], $0x400, s28, s26, $0x38;
	[tilespmem:$0x10000] =	vst v63  }
0x11c: {  	p0 =	sne.s32 s2, $0x18000;
	s2 =	sadd.s32 $0x8400, s3;
	s4 =	sadd.s32 $0x40, s1  }
0x11d: {  	[hbm4b:s4+s26] =	stream.strided.scatter [tilespmem:s2], [sflag:$0x3], $0x400, s28, s26, $0x38;
	[tilespmem:$0x10000] =	vst v63  }
0x11e: {  	s2 =	sadd.s32 $0x8800, s3;
	s4 =	sadd.s32 $0x80, s1  }
0x11f: {  	[hbm4b:s4+s26] =	stream.strided.scatter [tilespmem:s2], [sflag:$0x3], $0x400, s28, s26, $0x38;
	[tilespmem:$0x10000] =	vst v63  }
0x120: {  	s2 =	sadd.s32 $0x8C00, s3;
	s4 =	sadd.s32 $0xC0, s1  }
0x121: {  	[hbm4b:s4+s26] =	stream.strided.scatter [tilespmem:s2], [sflag:$0x3], $0x400, s28, s26, $0x38;
	[tilespmem:$0x10000] =	vst v63  }
0x122: {  	s2 =	sadd.s32 $0x9000, s3;
	s4 =	sadd.s32 $0x100, s1  }
0x123: {  	[hbm4b:s4+s26] =	stream.strided.scatter [tilespmem:s2], [sflag:$0x3], $0x400, s28, s26, $0x38;
	[tilespmem:$0x10000] =	vst v63  }
.Ltmp6:
0x124: {  	s2 =	sadd.s32 $0x9400, s3;
	s4 =	sadd.s32 $0x140, s1;
	(pc) =	sbr.rel @p0 .LBB2_14-.Ltmp6, $4  }
0x125: {  	[hbm4b:s4+s26] =	stream.strided.scatter [tilespmem:s2], [sflag:$0x3], $0x400, s28, s26, $0x38;
	[tilespmem:$0x10000] =	vst v63  }
0x126: {  	s2 =	sadd.s32 $0x9800, s3;
	s4 =	sadd.s32 $0x180, s1;
	s3 =	sadd.s32 $0x9C00, s3  }
0x127: {  	[hbm4b:s4+s26] =	stream.strided.scatter [tilespmem:s2], [sflag:$0x3], $0x400, s28, s26, $0x38;
	[tilespmem:$0x10000] =	vst v63  }
0x128: {  	s4 =	sadd.s32 $0x1C0, s1;
	s1 =	sadd.s32 $0x2000, s1;
	s2 =	smov.u32 s24  }
0x129: {  	[hbm4b:s4+s26] =	stream.strided.scatter [tilespmem:s3], [sflag:$0x3], $0x400, s28, s26, $0x38;
	[tilespmem:$0x10000] =	vst v63  }
0x12a: {  	s2 =	sadd.s32 $0x8000, s0  }
0x12b: {  	[hbm4b:s1+s26] =	stream.strided.scatter [tilespmem:s2], [sflag:$0x3], $0x400, s28, s26, $0x38;
	[tilespmem:$0x10000] =	vst v63  }
0x12c: {  	s4 =	sadd.s32 $0x8400, s0;
	s24 =	sadd.s32 $0x40, s1  }
0x12d: {  	[hbm4b:s24+s26] =	stream.strided.scatter [tilespmem:s4], [sflag:$0x3], $0x400, s28, s26, $0x38;
	[tilespmem:$0x10000] =	vst v63  }
0x12e: {  	s4 =	sadd.s32 $0x8800, s0;
	s24 =	sadd.s32 $0x80, s1  }
0x12f: {  	[hbm4b:s24+s26] =	stream.strided.scatter [tilespmem:s4], [sflag:$0x3], $0x400, s28, s26, $0x38;
	[tilespmem:$0x10000] =	vst v63  }
0x130: {  	s4 =	sadd.s32 $0x8C00, s0;
	s24 =	sadd.s32 $0xC0, s1  }
0x131: {  	[hbm4b:s24+s26] =	stream.strided.scatter [tilespmem:s4], [sflag:$0x3], $0x400, s28, s26, $0x38;
	[tilespmem:$0x10000] =	vst v63  }
0x132: {  	s4 =	sadd.s32 $0x9000, s0;
	s24 =	sadd.s32 $0x100, s1  }
0x133: {  	[hbm4b:s24+s26] =	stream.strided.scatter [tilespmem:s4], [sflag:$0x3], $0x400, s28, s26, $0x38;
	[tilespmem:$0x10000] =	vst v63  }
0x134: {  	s4 =	sadd.s32 $0x9400, s0;
	s24 =	sadd.s32 $0x140, s1  }
0x135: {  	[hbm4b:s24+s26] =	stream.strided.scatter [tilespmem:s4], [sflag:$0x3], $0x400, s28, s26, $0x38;
	[tilespmem:$0x10000] =	vst v63  }
0x136: {  	s4 =	sadd.s32 $0x9800, s0;
	s24 =	sadd.s32 $0x180, s1  }
0x137: {  	[hbm4b:s24+s26] =	stream.strided.scatter [tilespmem:s4], [sflag:$0x3], $0x400, s28, s26, $0x38;
	[tilespmem:$0x10000] =	vst v63  }
0x138: {  	s4 =	sadd.s32 $0x9C00, s0;
	s24 =	sadd.s32 $0x1C0, s1  }
0x139: {  	[hbm4b:s24+s26] =	stream.strided.scatter [tilespmem:s4], [sflag:$0x3], $0x400, s28, s26, $0x38;
	[tilespmem:$0x10000] =	vst v63  }
0x13a: {  	s1 =	simm.s32 $0x8000  }
0x13b: {  	[hbm4b:s13+s26] =	stream.strided.scatter [tilespmem:s1], [sflag:$0x3], $0x400, s28, s26, $0x38;
	[tilespmem:$0x10000] =	vst v63  }
0x13c: {  	s3 =	sadd.s32 $0x40, s13;
	s2 =	simm.s32 $0x8400  }
0x13d: {  	[hbm4b:s3+s26] =	stream.strided.scatter [tilespmem:s2], [sflag:$0x3], $0x400, s28, s26, $0x38;
	[tilespmem:$0x10000] =	vst v63  }
0x13e: {  	s4 =	simm.s32 $0x8800;
	s24 =	sadd.s32 $0x80, s13  }
0x13f: {  	[hbm4b:s24+s26] =	stream.strided.scatter [tilespmem:s4], [sflag:$0x3], $0x400, s28, s26, $0x38;
	[tilespmem:$0x10000] =	vst v63  }
0x140: {  	s2 =	simm.s32 $0x8C00;
	s3 =	sadd.s32 $0xC0, s13  }
0x141: {  	[hbm4b:s3+s26] =	stream.strided.scatter [tilespmem:s2], [sflag:$0x3], $0x400, s28, s26, $0x38;
	[tilespmem:$0x10000] =	vst v63  }
0x142: {  	s4 =	simm.s32 $0x9000;
	s24 =	sadd.s32 $0x100, s13  }
0x143: {  	[hbm4b:s24+s26] =	stream.strided.scatter [tilespmem:s4], [sflag:$0x3], $0x400, s28, s26, $0x38;
	[tilespmem:$0x10000] =	vst v63  }
0x144: {  	s0 =	simm.s32 $0x2000;
	s2 =	simm.s32 $0x9400;
	s3 =	sadd.s32 $0x140, s13  }
0x145: {  	[hbm4b:s3+s26] =	stream.strided.scatter [tilespmem:s2], [sflag:$0x3], $0x400, s28, s26, $0x38;
	[tilespmem:$0x10000] =	vst v63  }
0x146: {  	s1 =	sadd.s32 $0x2000, s13;
	s4 =	simm.s32 $0x9800;
	s24 =	sadd.s32 $0x180, s13  }
0x147: {  	[hbm4b:s24+s26] =	stream.strided.scatter [tilespmem:s4], [sflag:$0x3], $0x400, s28, s26, $0x38;
	[tilespmem:$0x10000] =	vst v63  }
0x148: {  	s2 =	simm.s32 $0x10000;
	s3 =	simm.s32 $0x9C00;
	s4 =	sadd.s32 $0x1C0, s13  }
.LBB2_16:
0x149: {  	[hbm4b:s4+s26] =	stream.strided.scatter [tilespmem:s3], [sflag:$0x3], $0x400, s28, s26, $0x38;
	[tilespmem:$0x10000] =	vst v63  }
0x14a: {  	s3 =	smov.u32 s0;
	s0 =	smov.u32 s2  }
0x14b: {  	s24 =	sadd.s32 $0x8000, s2;
	s0 =	sshra.s32 s0, $0x2;
	s4 =	sadd.s32 $0x8000, s3  }
0x14c: {  	[hbm4b:s1+s26] =	stream.strided.scatter [tilespmem:s4], [sflag:$0x3], $0x400, s28, s26, $0x38;
	[tilespmem:$0x10000] =	vst v63  }
0x14d: {  	p0 =	sne.s32 s2, $0x18000;
	s2 =	sadd.s32 $0x8400, s3;
	s4 =	sadd.s32 $0x40, s1  }
0x14e: {  	[hbm4b:s4+s26] =	stream.strided.scatter [tilespmem:s2], [sflag:$0x3], $0x400, s28, s26, $0x38;
	[tilespmem:$0x10000] =	vst v63  }
0x14f: {  	s2 =	sadd.s32 $0x8800, s3;
	s4 =	sadd.s32 $0x80, s1  }
0x150: {  	[hbm4b:s4+s26] =	stream.strided.scatter [tilespmem:s2], [sflag:$0x3], $0x400, s28, s26, $0x38;
	[tilespmem:$0x10000] =	vst v63  }
0x151: {  	s2 =	sadd.s32 $0x8C00, s3;
	s4 =	sadd.s32 $0xC0, s1  }
0x152: {  	[hbm4b:s4+s26] =	stream.strided.scatter [tilespmem:s2], [sflag:$0x3], $0x400, s28, s26, $0x38;
	[tilespmem:$0x10000] =	vst v63  }
0x153: {  	s2 =	sadd.s32 $0x9000, s3;
	s4 =	sadd.s32 $0x100, s1  }
0x154: {  	[hbm4b:s4+s26] =	stream.strided.scatter [tilespmem:s2], [sflag:$0x3], $0x400, s28, s26, $0x38;
	[tilespmem:$0x10000] =	vst v63  }
.Ltmp7:
0x155: {  	s2 =	sadd.s32 $0x9400, s3;
	s4 =	sadd.s32 $0x140, s1;
	(pc) =	sbr.rel @p0 .LBB2_16-.Ltmp7, $4  }
0x156: {  	[hbm4b:s4+s26] =	stream.strided.scatter [tilespmem:s2], [sflag:$0x3], $0x400, s28, s26, $0x38;
	[tilespmem:$0x10000] =	vst v63  }
0x157: {  	s2 =	sadd.s32 $0x9800, s3;
	s4 =	sadd.s32 $0x180, s1;
	s3 =	sadd.s32 $0x9C00, s3  }
0x158: {  	[hbm4b:s4+s26] =	stream.strided.scatter [tilespmem:s2], [sflag:$0x3], $0x400, s28, s26, $0x38;
	[tilespmem:$0x10000] =	vst v63  }
0x159: {  	s4 =	sadd.s32 $0x1C0, s1;
	s1 =	sadd.s32 $0x2000, s1;
	s2 =	smov.u32 s24  }
0x15a: {  	[hbm4b:s4+s26] =	stream.strided.scatter [tilespmem:s3], [sflag:$0x3], $0x400, s28, s26, $0x38;
	[tilespmem:$0x10000] =	vst v63  }
0x15b: {  	s2 =	sadd.s32 $0x8000, s0  }
0x15c: {  	[hbm4b:s1+s26] =	stream.strided.scatter [tilespmem:s2], [sflag:$0x3], $0x400, s28, s26, $0x38;
	[tilespmem:$0x10000] =	vst v63  }
0x15d: {  	s4 =	sadd.s32 $0x8400, s0;
	s24 =	sadd.s32 $0x40, s1  }
0x15e: {  	[hbm4b:s24+s26] =	stream.strided.scatter [tilespmem:s4], [sflag:$0x3], $0x400, s28, s26, $0x38;
	[tilespmem:$0x10000] =	vst v63  }
0x15f: {  	s4 =	sadd.s32 $0x8800, s0;
	s24 =	sadd.s32 $0x80, s1  }
0x160: {  	[hbm4b:s24+s26] =	stream.strided.scatter [tilespmem:s4], [sflag:$0x3], $0x400, s28, s26, $0x38;
	[tilespmem:$0x10000] =	vst v63  }
0x161: {  	s4 =	sadd.s32 $0x8C00, s0;
	s24 =	sadd.s32 $0xC0, s1  }
0x162: {  	[hbm4b:s24+s26] =	stream.strided.scatter [tilespmem:s4], [sflag:$0x3], $0x400, s28, s26, $0x38;
	[tilespmem:$0x10000] =	vst v63  }
0x163: {  	s4 =	sadd.s32 $0x9000, s0;
	s24 =	sadd.s32 $0x100, s1  }
0x164: {  	[hbm4b:s24+s26] =	stream.strided.scatter [tilespmem:s4], [sflag:$0x3], $0x400, s28, s26, $0x38;
	[tilespmem:$0x10000] =	vst v63  }
0x165: {  	s4 =	sadd.s32 $0x9400, s0;
	s24 =	sadd.s32 $0x140, s1  }
0x166: {  	[hbm4b:s24+s26] =	stream.strided.scatter [tilespmem:s4], [sflag:$0x3], $0x400, s28, s26, $0x38;
	[tilespmem:$0x10000] =	vst v63  }
0x167: {  	s4 =	sadd.s32 $0x9800, s0;
	s24 =	sadd.s32 $0x180, s1  }
0x168: {  	[hbm4b:s24+s26] =	stream.strided.scatter [tilespmem:s4], [sflag:$0x3], $0x400, s28, s26, $0x38;
	[tilespmem:$0x10000] =	vst v63  }
0x169: {  	s3 =	sadd.s32 $0x1C0, s1;
	s2 =	sadd.s32 $0x9C00, s0  }
0x16a: {  	[hbm4b:s3+s26] =	stream.strided.scatter [tilespmem:s2], [sflag:$0x3], $0x400, s28, s26, $0x38;
	[tilespmem:$0x10000] =	vst v63  }
0x16b: {  	_ =	swait.ge [sflag:s29], $0x8000  }
0x16c: {  	[sflag:s29] =	ssyncset.done $0x0  }
0x16d: {  	[sflag:s29] =	ssyncadd.s32 $0xFFFF8000  }
0x16e: {  	_ =	swait.ge [sflag:s29], $0x8000  }
0x16f: {  	[sflag:s29] =	ssyncset.done $0x0  }
0x170: {  	[sflag:s29] =	ssyncadd.s32 $0xFFFF8000  }
0x171: {  	_ =	swait.ge [sflag:s29], $0x8000  }
0x172: {  	[sflag:s29] =	ssyncset.done $0x0  }
0x173: {  	[sflag:s29] =	ssyncadd.s32 $0xFFFF8000  }
0x174: {  	_ =	swait.ge [sflag:s29], $0x8000  }
0x175: {  	[sflag:s29] =	ssyncset.done $0x0  }
0x176: {  	s4 =	simm.s32 $0x0;
	s24 =	simm.s32 $0x8000;
	[sflag:s29] =	ssyncadd.s32 $0xFFFF8000  }
0x177: {  	[tilespmem:s24], [sflag:$0x2] =	stream.linear.gather [hbm4b:s14+s4], $0x8000, $0x38;
	[tilespmem:$0x10000] =	vst v63  }
0x178: {  	_ =	swait.ge [sflag:s25], $0x8000  }
0x179: {  	[sflag:s25] =	ssyncset.done $0x0  }
0x17a: {  	s1 =	simm.s32 $0x0;
	[sflag:s25] =	ssyncadd.s32 $0xFFFF8000  }
0x17b: {  	[hbm4b:s15+s26] =	stream.strided.scatter [tilespmem:s1], [sflag:$0x3], $0x400, s28, s26, $0x38;
	[tilespmem:$0x10000] =	vst v63  }
0x17c: {  	s2 =	simm.s32 $0x400;
	s3 =	sadd.s32 $0x40, s15  }
0x17d: {  	[hbm4b:s3+s26] =	stream.strided.scatter [tilespmem:s2], [sflag:$0x3], $0x400, s28, s26, $0x38;
	[tilespmem:$0x10000] =	vst v63  }
0x17e: {  	s4 =	simm.s32 $0x800;
	s24 =	sadd.s32 $0x80, s15  }
0x17f: {  	[hbm4b:s24+s26] =	stream.strided.scatter [tilespmem:s4], [sflag:$0x3], $0x400, s28, s26, $0x38;
	[tilespmem:$0x10000] =	vst v63  }
0x180: {  	s0 =	simm.s32 $0x8000;
	s2 =	simm.s32 $0xC00;
	s3 =	sadd.s32 $0xC0, s15  }
0x181: {  	[hbm4b:s3+s26] =	stream.strided.scatter [tilespmem:s2], [sflag:$0x3], $0x400, s28, s26, $0x38;
	[tilespmem:$0x10000] =	vst v63  }
0x182: {  	s1 =	sadd.s32 $0x2000, s15;
	s4 =	simm.s32 $0x1000;
	s24 =	sadd.s32 $0x100, s15  }
0x183: {  	[hbm4b:s24+s26] =	stream.strided.scatter [tilespmem:s4], [sflag:$0x3], $0x400, s28, s26, $0x38;
	[tilespmem:$0x10000] =	vst v63  }
0x184: {  	s2 =	simm.s32 $0x1400;
	s3 =	sadd.s32 $0x140, s15;
	s4 =	simm.s32 $0x1800  }
0x185: {  	[hbm4b:s3+s26] =	stream.strided.scatter [tilespmem:s2], [sflag:$0x3], $0x400, s28, s26, $0x38;
	[tilespmem:$0x10000] =	vst v63  }
0x186: {  	s24 =	sadd.s32 $0x180, s15;
	s2 =	simm.s32 $0x1C00;
	s3 =	sadd.s32 $0x1C0, s15  }
0x187: {  	[hbm4b:s24+s26] =	stream.strided.scatter [tilespmem:s4], [sflag:$0x3], $0x400, s28, s26, $0x38;
	[tilespmem:$0x10000] =	vst v63  }
.LBB2_18:
0x188: {  	[hbm4b:s3+s26] =	stream.strided.scatter [tilespmem:s2], [sflag:$0x3], $0x400, s28, s26, $0x38;
	[tilespmem:$0x10000] =	vst v63  }
0x189: {  	s2 =	sshra.s32 s0, $0x2;
	p0 =	sne.s32 s0, $0x18000;
	s0 =	sadd.s32 $0x8000, s0  }
0x18a: {  	[hbm4b:s1+s26] =	stream.strided.scatter [tilespmem:s2], [sflag:$0x3], $0x400, s28, s26, $0x38;
	[tilespmem:$0x10000] =	vst v63  }
0x18b: {  	s4 =	sadd.s32 $0x40, s1;
	s3 =	sadd.s32 $0x400, s2  }
0x18c: {  	[hbm4b:s4+s26] =	stream.strided.scatter [tilespmem:s3], [sflag:$0x3], $0x400, s28, s26, $0x38;
	[tilespmem:$0x10000] =	vst v63  }
0x18d: {  	s3 =	sadd.s32 $0x800, s2;
	s4 =	sadd.s32 $0x80, s1  }
0x18e: {  	[hbm4b:s4+s26] =	stream.strided.scatter [tilespmem:s3], [sflag:$0x3], $0x400, s28, s26, $0x38;
	[tilespmem:$0x10000] =	vst v63  }
0x18f: {  	s3 =	sadd.s32 $0xC00, s2;
	s4 =	sadd.s32 $0xC0, s1  }
0x190: {  	[hbm4b:s4+s26] =	stream.strided.scatter [tilespmem:s3], [sflag:$0x3], $0x400, s28, s26, $0x38;
	[tilespmem:$0x10000] =	vst v63  }
0x191: {  	s3 =	sadd.s32 $0x1000, s2;
	s4 =	sadd.s32 $0x100, s1  }
0x192: {  	[hbm4b:s4+s26] =	stream.strided.scatter [tilespmem:s3], [sflag:$0x3], $0x400, s28, s26, $0x38;
	[tilespmem:$0x10000] =	vst v63  }
.Ltmp8:
0x193: {  	s3 =	sadd.s32 $0x1400, s2;
	s4 =	sadd.s32 $0x140, s1;
	(pc) =	sbr.rel @p0 .LBB2_18-.Ltmp8, $4  }
0x194: {  	[hbm4b:s4+s26] =	stream.strided.scatter [tilespmem:s3], [sflag:$0x3], $0x400, s28, s26, $0x38;
	[tilespmem:$0x10000] =	vst v63  }
0x195: {  	s3 =	sadd.s32 $0x1800, s2;
	s4 =	sadd.s32 $0x180, s1  }
0x196: {  	[hbm4b:s4+s26] =	stream.strided.scatter [tilespmem:s3], [sflag:$0x3], $0x400, s28, s26, $0x38;
	[tilespmem:$0x10000] =	vst v63  }
0x197: {  	s2 =	sadd.s32 $0x1C00, s2;
	s3 =	sadd.s32 $0x1C0, s1;
	s1 =	sadd.s32 $0x2000, s1  }
0x198: {  	[hbm4b:s3+s26] =	stream.strided.scatter [tilespmem:s2], [sflag:$0x3], $0x400, s28, s26, $0x38;
	[tilespmem:$0x10000] =	vst v63  }
0x199: {  	s0 =	simm.s32 $0x0  }
0x19a: {  	[hbm4b:s16+s26] =	stream.strided.scatter [tilespmem:s0], [sflag:$0x3], $0x400, s28, s26, $0x38;
	[tilespmem:$0x10000] =	vst v63  }
0x19b: {  	s3 =	simm.s32 $0x400;
	s1 =	sadd.s32 $0x40, s16  }
0x19c: {  	[hbm4b:s1+s26] =	stream.strided.scatter [tilespmem:s3], [sflag:$0x3], $0x400, s28, s26, $0x38;
	[tilespmem:$0x10000] =	vst v63  }
0x19d: {  	s4 =	simm.s32 $0x800;
	s24 =	sadd.s32 $0x80, s16  }
0x19e: {  	[hbm4b:s24+s26] =	stream.strided.scatter [tilespmem:s4], [sflag:$0x3], $0x400, s28, s26, $0x38;
	[tilespmem:$0x10000] =	vst v63  }
0x19f: {  	s2 =	simm.s32 $0xC00;
	s0 =	simm.s32 $0x8000;
	s3 =	sadd.s32 $0xC0, s16  }
0x1a0: {  	[hbm4b:s3+s26] =	stream.strided.scatter [tilespmem:s2], [sflag:$0x3], $0x400, s28, s26, $0x38;
	[tilespmem:$0x10000] =	vst v63  }
0x1a1: {  	s1 =	sadd.s32 $0x2000, s16;
	s4 =	simm.s32 $0x1000;
	s24 =	sadd.s32 $0x100, s16  }
0x1a2: {  	[hbm4b:s24+s26] =	stream.strided.scatter [tilespmem:s4], [sflag:$0x3], $0x400, s28, s26, $0x38;
	[tilespmem:$0x10000] =	vst v63  }
0x1a3: {  	s2 =	simm.s32 $0x1400;
	s3 =	sadd.s32 $0x140, s16;
	s4 =	simm.s32 $0x1800  }
0x1a4: {  	[hbm4b:s3+s26] =	stream.strided.scatter [tilespmem:s2], [sflag:$0x3], $0x400, s28, s26, $0x38;
	[tilespmem:$0x10000] =	vst v63  }
0x1a5: {  	s24 =	sadd.s32 $0x180, s16;
	s2 =	simm.s32 $0x1C00;
	s3 =	sadd.s32 $0x1C0, s16  }
0x1a6: {  	[hbm4b:s24+s26] =	stream.strided.scatter [tilespmem:s4], [sflag:$0x3], $0x400, s28, s26, $0x38;
	[tilespmem:$0x10000] =	vst v63  }
.LBB2_20:
0x1a7: {  	[hbm4b:s3+s26] =	stream.strided.scatter [tilespmem:s2], [sflag:$0x3], $0x400, s28, s26, $0x38;
	[tilespmem:$0x10000] =	vst v63  }
0x1a8: {  	s2 =	sshra.s32 s0, $0x2;
	p0 =	sne.s32 s0, $0x18000;
	s0 =	sadd.s32 $0x8000, s0  }
0x1a9: {  	[hbm4b:s1+s26] =	stream.strided.scatter [tilespmem:s2], [sflag:$0x3], $0x400, s28, s26, $0x38;
	[tilespmem:$0x10000] =	vst v63  }
0x1aa: {  	s4 =	sadd.s32 $0x40, s1;
	s3 =	sadd.s32 $0x400, s2  }
0x1ab: {  	[hbm4b:s4+s26] =	stream.strided.scatter [tilespmem:s3], [sflag:$0x3], $0x400, s28, s26, $0x38;
	[tilespmem:$0x10000] =	vst v63  }
0x1ac: {  	s3 =	sadd.s32 $0x800, s2;
	s4 =	sadd.s32 $0x80, s1  }
0x1ad: {  	[hbm4b:s4+s26] =	stream.strided.scatter [tilespmem:s3], [sflag:$0x3], $0x400, s28, s26, $0x38;
	[tilespmem:$0x10000] =	vst v63  }
0x1ae: {  	s3 =	sadd.s32 $0xC00, s2;
	s4 =	sadd.s32 $0xC0, s1  }
0x1af: {  	[hbm4b:s4+s26] =	stream.strided.scatter [tilespmem:s3], [sflag:$0x3], $0x400, s28, s26, $0x38;
	[tilespmem:$0x10000] =	vst v63  }
0x1b0: {  	s3 =	sadd.s32 $0x1000, s2;
	s4 =	sadd.s32 $0x100, s1  }
0x1b1: {  	[hbm4b:s4+s26] =	stream.strided.scatter [tilespmem:s3], [sflag:$0x3], $0x400, s28, s26, $0x38;
	[tilespmem:$0x10000] =	vst v63  }
.Ltmp9:
0x1b2: {  	s3 =	sadd.s32 $0x1400, s2;
	s4 =	sadd.s32 $0x140, s1;
	(pc) =	sbr.rel @p0 .LBB2_20-.Ltmp9, $4  }
0x1b3: {  	[hbm4b:s4+s26] =	stream.strided.scatter [tilespmem:s3], [sflag:$0x3], $0x400, s28, s26, $0x38;
	[tilespmem:$0x10000] =	vst v63  }
0x1b4: {  	s3 =	sadd.s32 $0x1800, s2;
	s4 =	sadd.s32 $0x180, s1  }
0x1b5: {  	[hbm4b:s4+s26] =	stream.strided.scatter [tilespmem:s3], [sflag:$0x3], $0x400, s28, s26, $0x38;
	[tilespmem:$0x10000] =	vst v63  }
0x1b6: {  	s2 =	sadd.s32 $0x1C00, s2;
	s3 =	sadd.s32 $0x1C0, s1;
	s1 =	sadd.s32 $0x2000, s1  }
0x1b7: {  	[hbm4b:s3+s26] =	stream.strided.scatter [tilespmem:s2], [sflag:$0x3], $0x400, s28, s26, $0x38;
	[tilespmem:$0x10000] =	vst v63  }
0x1b8: {  	s0 =	simm.s32 $0x0  }
0x1b9: {  	[hbm4b:s17+s26] =	stream.strided.scatter [tilespmem:s0], [sflag:$0x3], $0x400, s28, s26, $0x38;
	[tilespmem:$0x10000] =	vst v63  }
0x1ba: {  	s3 =	simm.s32 $0x400;
	s1 =	sadd.s32 $0x40, s17  }
0x1bb: {  	[hbm4b:s1+s26] =	stream.strided.scatter [tilespmem:s3], [sflag:$0x3], $0x400, s28, s26, $0x38;
	[tilespmem:$0x10000] =	vst v63  }
0x1bc: {  	s4 =	simm.s32 $0x800;
	s24 =	sadd.s32 $0x80, s17  }
0x1bd: {  	[hbm4b:s24+s26] =	stream.strided.scatter [tilespmem:s4], [sflag:$0x3], $0x400, s28, s26, $0x38;
	[tilespmem:$0x10000] =	vst v63  }
0x1be: {  	s2 =	simm.s32 $0xC00;
	s0 =	simm.s32 $0x8000;
	s3 =	sadd.s32 $0xC0, s17  }
0x1bf: {  	[hbm4b:s3+s26] =	stream.strided.scatter [tilespmem:s2], [sflag:$0x3], $0x400, s28, s26, $0x38;
	[tilespmem:$0x10000] =	vst v63  }
0x1c0: {  	s1 =	sadd.s32 $0x2000, s17;
	s4 =	simm.s32 $0x1000;
	s24 =	sadd.s32 $0x100, s17  }
0x1c1: {  	[hbm4b:s24+s26] =	stream.strided.scatter [tilespmem:s4], [sflag:$0x3], $0x400, s28, s26, $0x38;
	[tilespmem:$0x10000] =	vst v63  }
0x1c2: {  	s2 =	simm.s32 $0x1400;
	s3 =	sadd.s32 $0x140, s17;
	s4 =	simm.s32 $0x1800  }
0x1c3: {  	[hbm4b:s3+s26] =	stream.strided.scatter [tilespmem:s2], [sflag:$0x3], $0x400, s28, s26, $0x38;
	[tilespmem:$0x10000] =	vst v63  }
0x1c4: {  	s24 =	sadd.s32 $0x180, s17;
	s2 =	simm.s32 $0x1C00;
	s3 =	sadd.s32 $0x1C0, s17  }
0x1c5: {  	[hbm4b:s24+s26] =	stream.strided.scatter [tilespmem:s4], [sflag:$0x3], $0x400, s28, s26, $0x38;
	[tilespmem:$0x10000] =	vst v63  }
.LBB2_22:
0x1c6: {  	[hbm4b:s3+s26] =	stream.strided.scatter [tilespmem:s2], [sflag:$0x3], $0x400, s28, s26, $0x38;
	[tilespmem:$0x10000] =	vst v63  }
0x1c7: {  	s2 =	sshra.s32 s0, $0x2;
	p0 =	sne.s32 s0, $0x18000;
	s0 =	sadd.s32 $0x8000, s0  }
0x1c8: {  	[hbm4b:s1+s26] =	stream.strided.scatter [tilespmem:s2], [sflag:$0x3], $0x400, s28, s26, $0x38;
	[tilespmem:$0x10000] =	vst v63  }
0x1c9: {  	s4 =	sadd.s32 $0x40, s1;
	s3 =	sadd.s32 $0x400, s2  }
0x1ca: {  	[hbm4b:s4+s26] =	stream.strided.scatter [tilespmem:s3], [sflag:$0x3], $0x400, s28, s26, $0x38;
	[tilespmem:$0x10000] =	vst v63  }
0x1cb: {  	s3 =	sadd.s32 $0x800, s2;
	s4 =	sadd.s32 $0x80, s1  }
0x1cc: {  	[hbm4b:s4+s26] =	stream.strided.scatter [tilespmem:s3], [sflag:$0x3], $0x400, s28, s26, $0x38;
	[tilespmem:$0x10000] =	vst v63  }
0x1cd: {  	s3 =	sadd.s32 $0xC00, s2;
	s4 =	sadd.s32 $0xC0, s1  }
0x1ce: {  	[hbm4b:s4+s26] =	stream.strided.scatter [tilespmem:s3], [sflag:$0x3], $0x400, s28, s26, $0x38;
	[tilespmem:$0x10000] =	vst v63  }
0x1cf: {  	s3 =	sadd.s32 $0x1000, s2;
	s4 =	sadd.s32 $0x100, s1  }
0x1d0: {  	[hbm4b:s4+s26] =	stream.strided.scatter [tilespmem:s3], [sflag:$0x3], $0x400, s28, s26, $0x38;
	[tilespmem:$0x10000] =	vst v63  }
.Ltmp10:
0x1d1: {  	s3 =	sadd.s32 $0x1400, s2;
	s4 =	sadd.s32 $0x140, s1;
	(pc) =	sbr.rel @p0 .LBB2_22-.Ltmp10, $4  }
0x1d2: {  	[hbm4b:s4+s26] =	stream.strided.scatter [tilespmem:s3], [sflag:$0x3], $0x400, s28, s26, $0x38;
	[tilespmem:$0x10000] =	vst v63  }
0x1d3: {  	s3 =	sadd.s32 $0x1800, s2;
	s4 =	sadd.s32 $0x180, s1  }
0x1d4: {  	[hbm4b:s4+s26] =	stream.strided.scatter [tilespmem:s3], [sflag:$0x3], $0x400, s28, s26, $0x38;
	[tilespmem:$0x10000] =	vst v63  }
0x1d5: {  	s2 =	sadd.s32 $0x1C00, s2;
	s3 =	sadd.s32 $0x1C0, s1;
	s1 =	sadd.s32 $0x2000, s1  }
0x1d6: {  	[hbm4b:s3+s26] =	stream.strided.scatter [tilespmem:s2], [sflag:$0x3], $0x400, s28, s26, $0x38;
	[tilespmem:$0x10000] =	vst v63  }
0x1d7: {  	s0 =	simm.s32 $0x0  }
0x1d8: {  	[hbm4b:s18+s26] =	stream.strided.scatter [tilespmem:s0], [sflag:$0x3], $0x400, s28, s26, $0x38;
	[tilespmem:$0x10000] =	vst v63  }
0x1d9: {  	s3 =	simm.s32 $0x400;
	s1 =	sadd.s32 $0x40, s18  }
0x1da: {  	[hbm4b:s1+s26] =	stream.strided.scatter [tilespmem:s3], [sflag:$0x3], $0x400, s28, s26, $0x38;
	[tilespmem:$0x10000] =	vst v63  }
0x1db: {  	s4 =	simm.s32 $0x800;
	s24 =	sadd.s32 $0x80, s18  }
0x1dc: {  	[hbm4b:s24+s26] =	stream.strided.scatter [tilespmem:s4], [sflag:$0x3], $0x400, s28, s26, $0x38;
	[tilespmem:$0x10000] =	vst v63  }
0x1dd: {  	s2 =	simm.s32 $0xC00;
	s0 =	simm.s32 $0x8000;
	s3 =	sadd.s32 $0xC0, s18  }
0x1de: {  	[hbm4b:s3+s26] =	stream.strided.scatter [tilespmem:s2], [sflag:$0x3], $0x400, s28, s26, $0x38;
	[tilespmem:$0x10000] =	vst v63  }
0x1df: {  	s1 =	sadd.s32 $0x2000, s18;
	s4 =	simm.s32 $0x1000;
	s24 =	sadd.s32 $0x100, s18  }
0x1e0: {  	[hbm4b:s24+s26] =	stream.strided.scatter [tilespmem:s4], [sflag:$0x3], $0x400, s28, s26, $0x38;
	[tilespmem:$0x10000] =	vst v63  }
0x1e1: {  	s2 =	simm.s32 $0x1400;
	s3 =	sadd.s32 $0x140, s18;
	s4 =	simm.s32 $0x1800  }
0x1e2: {  	[hbm4b:s3+s26] =	stream.strided.scatter [tilespmem:s2], [sflag:$0x3], $0x400, s28, s26, $0x38;
	[tilespmem:$0x10000] =	vst v63  }
0x1e3: {  	s24 =	sadd.s32 $0x180, s18;
	s2 =	simm.s32 $0x1C00;
	s3 =	sadd.s32 $0x1C0, s18  }
0x1e4: {  	[hbm4b:s24+s26] =	stream.strided.scatter [tilespmem:s4], [sflag:$0x3], $0x400, s28, s26, $0x38;
	[tilespmem:$0x10000] =	vst v63  }
.LBB2_24:
0x1e5: {  	[hbm4b:s3+s26] =	stream.strided.scatter [tilespmem:s2], [sflag:$0x3], $0x400, s28, s26, $0x38;
	[tilespmem:$0x10000] =	vst v63  }
0x1e6: {  	s2 =	sshra.s32 s0, $0x2;
	p0 =	sne.s32 s0, $0x18000;
	s0 =	sadd.s32 $0x8000, s0  }
0x1e7: {  	[hbm4b:s1+s26] =	stream.strided.scatter [tilespmem:s2], [sflag:$0x3], $0x400, s28, s26, $0x38;
	[tilespmem:$0x10000] =	vst v63  }
0x1e8: {  	s4 =	sadd.s32 $0x40, s1;
	s3 =	sadd.s32 $0x400, s2  }
0x1e9: {  	[hbm4b:s4+s26] =	stream.strided.scatter [tilespmem:s3], [sflag:$0x3], $0x400, s28, s26, $0x38;
	[tilespmem:$0x10000] =	vst v63  }
0x1ea: {  	s3 =	sadd.s32 $0x800, s2;
	s4 =	sadd.s32 $0x80, s1  }
0x1eb: {  	[hbm4b:s4+s26] =	stream.strided.scatter [tilespmem:s3], [sflag:$0x3], $0x400, s28, s26, $0x38;
	[tilespmem:$0x10000] =	vst v63  }
0x1ec: {  	s3 =	sadd.s32 $0xC00, s2;
	s4 =	sadd.s32 $0xC0, s1  }
0x1ed: {  	[hbm4b:s4+s26] =	stream.strided.scatter [tilespmem:s3], [sflag:$0x3], $0x400, s28, s26, $0x38;
	[tilespmem:$0x10000] =	vst v63  }
0x1ee: {  	s3 =	sadd.s32 $0x1000, s2;
	s4 =	sadd.s32 $0x100, s1  }
0x1ef: {  	[hbm4b:s4+s26] =	stream.strided.scatter [tilespmem:s3], [sflag:$0x3], $0x400, s28, s26, $0x38;
	[tilespmem:$0x10000] =	vst v63  }
.Ltmp11:
0x1f0: {  	s3 =	sadd.s32 $0x1400, s2;
	s4 =	sadd.s32 $0x140, s1;
	(pc) =	sbr.rel @p0 .LBB2_24-.Ltmp11, $4  }
0x1f1: {  	[hbm4b:s4+s26] =	stream.strided.scatter [tilespmem:s3], [sflag:$0x3], $0x400, s28, s26, $0x38;
	[tilespmem:$0x10000] =	vst v63  }
0x1f2: {  	s3 =	sadd.s32 $0x1800, s2;
	s4 =	sadd.s32 $0x180, s1  }
0x1f3: {  	[hbm4b:s4+s26] =	stream.strided.scatter [tilespmem:s3], [sflag:$0x3], $0x400, s28, s26, $0x38;
	[tilespmem:$0x10000] =	vst v63  }
0x1f4: {  	s2 =	sadd.s32 $0x1C00, s2;
	s3 =	sadd.s32 $0x1C0, s1;
	s1 =	sadd.s32 $0x2000, s1  }
0x1f5: {  	[hbm4b:s3+s26] =	stream.strided.scatter [tilespmem:s2], [sflag:$0x3], $0x400, s28, s26, $0x38;
	[tilespmem:$0x10000] =	vst v63  }
0x1f6: {  	_ =	swait.ge [sflag:s29], $0x8000  }
0x1f7: {  	[sflag:s29] =	ssyncset.done $0x0  }
0x1f8: {  	[sflag:s29] =	ssyncadd.s32 $0xFFFF8000  }
0x1f9: {  	_ =	swait.ge [sflag:s29], $0x8000  }
0x1fa: {  	[sflag:s29] =	ssyncset.done $0x0  }
0x1fb: {  	[sflag:s29] =	ssyncadd.s32 $0xFFFF8000  }
0x1fc: {  	_ =	swait.ge [sflag:s29], $0x8000  }
0x1fd: {  	[sflag:s29] =	ssyncset.done $0x0  }
0x1fe: {  	[sflag:s29] =	ssyncadd.s32 $0xFFFF8000  }
0x1ff: {  	_ =	swait.ge [sflag:s29], $0x8000  }
0x200: {  	[sflag:s29] =	ssyncset.done $0x0  }
0x201: {  	[sflag:s29] =	ssyncadd.s32 $0xFFFF8000  }
0x202: {  	_ =	swait.ge [sflag:s30], $0x8000  }
0x203: {  	[sflag:s30] =	ssyncset.done $0x0  }
0x204: {  	s0 =	simm.s32 $0x8000;
	[sflag:s30] =	ssyncadd.s32 $0xFFFF8000  }
0x205: {  	[hbm4b:s19+s26] =	stream.strided.scatter [tilespmem:s0], [sflag:$0x3], $0x400, s28, s26, $0x38;
	[tilespmem:$0x10000] =	vst v63  }
0x206: {  	s3 =	simm.s32 $0x8400;
	s1 =	sadd.s32 $0x40, s19  }
0x207: {  	[hbm4b:s1+s26] =	stream.strided.scatter [tilespmem:s3], [sflag:$0x3], $0x400, s28, s26, $0x38;
	[tilespmem:$0x10000] =	vst v63  }
0x208: {  	s4 =	simm.s32 $0x8800;
	s24 =	sadd.s32 $0x80, s19  }
0x209: {  	[hbm4b:s24+s26] =	stream.strided.scatter [tilespmem:s4], [sflag:$0x3], $0x400, s28, s26, $0x38;
	[tilespmem:$0x10000] =	vst v63  }
0x20a: {  	s2 =	simm.s32 $0x8C00;
	s3 =	sadd.s32 $0xC0, s19  }
0x20b: {  	[hbm4b:s3+s26] =	stream.strided.scatter [tilespmem:s2], [sflag:$0x3], $0x400, s28, s26, $0x38;
	[tilespmem:$0x10000] =	vst v63  }
0x20c: {  	s4 =	simm.s32 $0x9000;
	s24 =	sadd.s32 $0x100, s19  }
0x20d: {  	[hbm4b:s24+s26] =	stream.strided.scatter [tilespmem:s4], [sflag:$0x3], $0x400, s28, s26, $0x38;
	[tilespmem:$0x10000] =	vst v63  }
0x20e: {  	s0 =	simm.s32 $0x2000;
	s2 =	simm.s32 $0x9400;
	s3 =	sadd.s32 $0x140, s19  }
0x20f: {  	[hbm4b:s3+s26] =	stream.strided.scatter [tilespmem:s2], [sflag:$0x3], $0x400, s28, s26, $0x38;
	[tilespmem:$0x10000] =	vst v63  }
0x210: {  	s1 =	sadd.s32 $0x2000, s19;
	s4 =	simm.s32 $0x9800;
	s24 =	sadd.s32 $0x180, s19  }
0x211: {  	[hbm4b:s24+s26] =	stream.strided.scatter [tilespmem:s4], [sflag:$0x3], $0x400, s28, s26, $0x38;
	[tilespmem:$0x10000] =	vst v63  }
0x212: {  	s2 =	simm.s32 $0x10000;
	s3 =	simm.s32 $0x9C00;
	s4 =	sadd.s32 $0x1C0, s19  }
.LBB2_26:
0x213: {  	[hbm4b:s4+s26] =	stream.strided.scatter [tilespmem:s3], [sflag:$0x3], $0x400, s28, s26, $0x38;
	[tilespmem:$0x10000] =	vst v63  }
0x214: {  	s3 =	smov.u32 s0;
	s0 =	smov.u32 s2  }
0x215: {  	s24 =	sadd.s32 $0x8000, s2;
	s0 =	sshra.s32 s0, $0x2;
	s4 =	sadd.s32 $0x8000, s3  }
0x216: {  	[hbm4b:s1+s26] =	stream.strided.scatter [tilespmem:s4], [sflag:$0x3], $0x400, s28, s26, $0x38;
	[tilespmem:$0x10000] =	vst v63  }
0x217: {  	p0 =	sne.s32 s2, $0x18000;
	s2 =	sadd.s32 $0x8400, s3;
	s4 =	sadd.s32 $0x40, s1  }
0x218: {  	[hbm4b:s4+s26] =	stream.strided.scatter [tilespmem:s2], [sflag:$0x3], $0x400, s28, s26, $0x38;
	[tilespmem:$0x10000] =	vst v63  }
0x219: {  	s2 =	sadd.s32 $0x8800, s3;
	s4 =	sadd.s32 $0x80, s1  }
0x21a: {  	[hbm4b:s4+s26] =	stream.strided.scatter [tilespmem:s2], [sflag:$0x3], $0x400, s28, s26, $0x38;
	[tilespmem:$0x10000] =	vst v63  }
0x21b: {  	s2 =	sadd.s32 $0x8C00, s3;
	s4 =	sadd.s32 $0xC0, s1  }
0x21c: {  	[hbm4b:s4+s26] =	stream.strided.scatter [tilespmem:s2], [sflag:$0x3], $0x400, s28, s26, $0x38;
	[tilespmem:$0x10000] =	vst v63  }
0x21d: {  	s2 =	sadd.s32 $0x9000, s3;
	s4 =	sadd.s32 $0x100, s1  }
0x21e: {  	[hbm4b:s4+s26] =	stream.strided.scatter [tilespmem:s2], [sflag:$0x3], $0x400, s28, s26, $0x38;
	[tilespmem:$0x10000] =	vst v63  }
.Ltmp12:
0x21f: {  	s2 =	sadd.s32 $0x9400, s3;
	s4 =	sadd.s32 $0x140, s1;
	(pc) =	sbr.rel @p0 .LBB2_26-.Ltmp12, $4  }
0x220: {  	[hbm4b:s4+s26] =	stream.strided.scatter [tilespmem:s2], [sflag:$0x3], $0x400, s28, s26, $0x38;
	[tilespmem:$0x10000] =	vst v63  }
0x221: {  	s2 =	sadd.s32 $0x9800, s3;
	s4 =	sadd.s32 $0x180, s1;
	s3 =	sadd.s32 $0x9C00, s3  }
0x222: {  	[hbm4b:s4+s26] =	stream.strided.scatter [tilespmem:s2], [sflag:$0x3], $0x400, s28, s26, $0x38;
	[tilespmem:$0x10000] =	vst v63  }
0x223: {  	s4 =	sadd.s32 $0x1C0, s1;
	s1 =	sadd.s32 $0x2000, s1;
	s2 =	smov.u32 s24  }
0x224: {  	[hbm4b:s4+s26] =	stream.strided.scatter [tilespmem:s3], [sflag:$0x3], $0x400, s28, s26, $0x38;
	[tilespmem:$0x10000] =	vst v63  }
0x225: {  	s2 =	sadd.s32 $0x8000, s0  }
0x226: {  	[hbm4b:s1+s26] =	stream.strided.scatter [tilespmem:s2], [sflag:$0x3], $0x400, s28, s26, $0x38;
	[tilespmem:$0x10000] =	vst v63  }
0x227: {  	s4 =	sadd.s32 $0x8400, s0;
	s24 =	sadd.s32 $0x40, s1  }
0x228: {  	[hbm4b:s24+s26] =	stream.strided.scatter [tilespmem:s4], [sflag:$0x3], $0x400, s28, s26, $0x38;
	[tilespmem:$0x10000] =	vst v63  }
0x229: {  	s4 =	sadd.s32 $0x8800, s0;
	s24 =	sadd.s32 $0x80, s1  }
0x22a: {  	[hbm4b:s24+s26] =	stream.strided.scatter [tilespmem:s4], [sflag:$0x3], $0x400, s28, s26, $0x38;
	[tilespmem:$0x10000] =	vst v63  }
0x22b: {  	s4 =	sadd.s32 $0x8C00, s0;
	s24 =	sadd.s32 $0xC0, s1  }
0x22c: {  	[hbm4b:s24+s26] =	stream.strided.scatter [tilespmem:s4], [sflag:$0x3], $0x400, s28, s26, $0x38;
	[tilespmem:$0x10000] =	vst v63  }
0x22d: {  	s4 =	sadd.s32 $0x9000, s0;
	s24 =	sadd.s32 $0x100, s1  }
0x22e: {  	[hbm4b:s24+s26] =	stream.strided.scatter [tilespmem:s4], [sflag:$0x3], $0x400, s28, s26, $0x38;
	[tilespmem:$0x10000] =	vst v63  }
0x22f: {  	s4 =	sadd.s32 $0x9400, s0;
	s24 =	sadd.s32 $0x140, s1  }
0x230: {  	[hbm4b:s24+s26] =	stream.strided.scatter [tilespmem:s4], [sflag:$0x3], $0x400, s28, s26, $0x38;
	[tilespmem:$0x10000] =	vst v63  }
0x231: {  	s4 =	sadd.s32 $0x9800, s0;
	s24 =	sadd.s32 $0x180, s1  }
0x232: {  	[hbm4b:s24+s26] =	stream.strided.scatter [tilespmem:s4], [sflag:$0x3], $0x400, s28, s26, $0x38;
	[tilespmem:$0x10000] =	vst v63  }
0x233: {  	s4 =	sadd.s32 $0x9C00, s0;
	s24 =	sadd.s32 $0x1C0, s1  }
0x234: {  	[hbm4b:s24+s26] =	stream.strided.scatter [tilespmem:s4], [sflag:$0x3], $0x400, s28, s26, $0x38;
	[tilespmem:$0x10000] =	vst v63  }
0x235: {  	s1 =	simm.s32 $0x8000  }
0x236: {  	[hbm4b:s20+s26] =	stream.strided.scatter [tilespmem:s1], [sflag:$0x3], $0x400, s28, s26, $0x38;
	[tilespmem:$0x10000] =	vst v63  }
0x237: {  	s3 =	sadd.s32 $0x40, s20;
	s2 =	simm.s32 $0x8400  }
0x238: {  	[hbm4b:s3+s26] =	stream.strided.scatter [tilespmem:s2], [sflag:$0x3], $0x400, s28, s26, $0x38;
	[tilespmem:$0x10000] =	vst v63  }
0x239: {  	s4 =	simm.s32 $0x8800;
	s24 =	sadd.s32 $0x80, s20  }
0x23a: {  	[hbm4b:s24+s26] =	stream.strided.scatter [tilespmem:s4], [sflag:$0x3], $0x400, s28, s26, $0x38;
	[tilespmem:$0x10000] =	vst v63  }
0x23b: {  	s2 =	simm.s32 $0x8C00;
	s3 =	sadd.s32 $0xC0, s20  }
0x23c: {  	[hbm4b:s3+s26] =	stream.strided.scatter [tilespmem:s2], [sflag:$0x3], $0x400, s28, s26, $0x38;
	[tilespmem:$0x10000] =	vst v63  }
0x23d: {  	s4 =	simm.s32 $0x9000;
	s24 =	sadd.s32 $0x100, s20  }
0x23e: {  	[hbm4b:s24+s26] =	stream.strided.scatter [tilespmem:s4], [sflag:$0x3], $0x400, s28, s26, $0x38;
	[tilespmem:$0x10000] =	vst v63  }
0x23f: {  	s0 =	simm.s32 $0x2000;
	s2 =	simm.s32 $0x9400;
	s3 =	sadd.s32 $0x140, s20  }
0x240: {  	[hbm4b:s3+s26] =	stream.strided.scatter [tilespmem:s2], [sflag:$0x3], $0x400, s28, s26, $0x38;
	[tilespmem:$0x10000] =	vst v63  }
0x241: {  	s1 =	sadd.s32 $0x2000, s20;
	s4 =	simm.s32 $0x9800;
	s24 =	sadd.s32 $0x180, s20  }
0x242: {  	[hbm4b:s24+s26] =	stream.strided.scatter [tilespmem:s4], [sflag:$0x3], $0x400, s28, s26, $0x38;
	[tilespmem:$0x10000] =	vst v63  }
0x243: {  	s2 =	simm.s32 $0x10000;
	s3 =	simm.s32 $0x9C00;
	s4 =	sadd.s32 $0x1C0, s20  }
.LBB2_28:
0x244: {  	[hbm4b:s4+s26] =	stream.strided.scatter [tilespmem:s3], [sflag:$0x3], $0x400, s28, s26, $0x38;
	[tilespmem:$0x10000] =	vst v63  }
0x245: {  	s3 =	smov.u32 s0;
	s0 =	smov.u32 s2  }
0x246: {  	s24 =	sadd.s32 $0x8000, s2;
	s0 =	sshra.s32 s0, $0x2;
	s4 =	sadd.s32 $0x8000, s3  }
0x247: {  	[hbm4b:s1+s26] =	stream.strided.scatter [tilespmem:s4], [sflag:$0x3], $0x400, s28, s26, $0x38;
	[tilespmem:$0x10000] =	vst v63  }
0x248: {  	p0 =	sne.s32 s2, $0x18000;
	s2 =	sadd.s32 $0x8400, s3;
	s4 =	sadd.s32 $0x40, s1  }
0x249: {  	[hbm4b:s4+s26] =	stream.strided.scatter [tilespmem:s2], [sflag:$0x3], $0x400, s28, s26, $0x38;
	[tilespmem:$0x10000] =	vst v63  }
0x24a: {  	s2 =	sadd.s32 $0x8800, s3;
	s4 =	sadd.s32 $0x80, s1  }
0x24b: {  	[hbm4b:s4+s26] =	stream.strided.scatter [tilespmem:s2], [sflag:$0x3], $0x400, s28, s26, $0x38;
	[tilespmem:$0x10000] =	vst v63  }
0x24c: {  	s2 =	sadd.s32 $0x8C00, s3;
	s4 =	sadd.s32 $0xC0, s1  }
0x24d: {  	[hbm4b:s4+s26] =	stream.strided.scatter [tilespmem:s2], [sflag:$0x3], $0x400, s28, s26, $0x38;
	[tilespmem:$0x10000] =	vst v63  }
0x24e: {  	s2 =	sadd.s32 $0x9000, s3;
	s4 =	sadd.s32 $0x100, s1  }
0x24f: {  	[hbm4b:s4+s26] =	stream.strided.scatter [tilespmem:s2], [sflag:$0x3], $0x400, s28, s26, $0x38;
	[tilespmem:$0x10000] =	vst v63  }
.Ltmp13:
0x250: {  	s2 =	sadd.s32 $0x9400, s3;
	s4 =	sadd.s32 $0x140, s1;
	(pc) =	sbr.rel @p0 .LBB2_28-.Ltmp13, $4  }
0x251: {  	[hbm4b:s4+s26] =	stream.strided.scatter [tilespmem:s2], [sflag:$0x3], $0x400, s28, s26, $0x38;
	[tilespmem:$0x10000] =	vst v63  }
0x252: {  	s2 =	sadd.s32 $0x9800, s3;
	s4 =	sadd.s32 $0x180, s1;
	s3 =	sadd.s32 $0x9C00, s3  }
0x253: {  	[hbm4b:s4+s26] =	stream.strided.scatter [tilespmem:s2], [sflag:$0x3], $0x400, s28, s26, $0x38;
	[tilespmem:$0x10000] =	vst v63  }
0x254: {  	s4 =	sadd.s32 $0x1C0, s1;
	s1 =	sadd.s32 $0x2000, s1;
	s2 =	smov.u32 s24  }
0x255: {  	[hbm4b:s4+s26] =	stream.strided.scatter [tilespmem:s3], [sflag:$0x3], $0x400, s28, s26, $0x38;
	[tilespmem:$0x10000] =	vst v63  }
0x256: {  	s2 =	sadd.s32 $0x8000, s0  }
0x257: {  	[hbm4b:s1+s26] =	stream.strided.scatter [tilespmem:s2], [sflag:$0x3], $0x400, s28, s26, $0x38;
	[tilespmem:$0x10000] =	vst v63  }
0x258: {  	s4 =	sadd.s32 $0x8400, s0;
	s24 =	sadd.s32 $0x40, s1  }
0x259: {  	[hbm4b:s24+s26] =	stream.strided.scatter [tilespmem:s4], [sflag:$0x3], $0x400, s28, s26, $0x38;
	[tilespmem:$0x10000] =	vst v63  }
0x25a: {  	s4 =	sadd.s32 $0x8800, s0;
	s24 =	sadd.s32 $0x80, s1  }
0x25b: {  	[hbm4b:s24+s26] =	stream.strided.scatter [tilespmem:s4], [sflag:$0x3], $0x400, s28, s26, $0x38;
	[tilespmem:$0x10000] =	vst v63  }
0x25c: {  	s4 =	sadd.s32 $0x8C00, s0;
	s24 =	sadd.s32 $0xC0, s1  }
0x25d: {  	[hbm4b:s24+s26] =	stream.strided.scatter [tilespmem:s4], [sflag:$0x3], $0x400, s28, s26, $0x38;
	[tilespmem:$0x10000] =	vst v63  }
0x25e: {  	s4 =	sadd.s32 $0x9000, s0;
	s24 =	sadd.s32 $0x100, s1  }
0x25f: {  	[hbm4b:s24+s26] =	stream.strided.scatter [tilespmem:s4], [sflag:$0x3], $0x400, s28, s26, $0x38;
	[tilespmem:$0x10000] =	vst v63  }
0x260: {  	s4 =	sadd.s32 $0x9400, s0;
	s24 =	sadd.s32 $0x140, s1  }
0x261: {  	[hbm4b:s24+s26] =	stream.strided.scatter [tilespmem:s4], [sflag:$0x3], $0x400, s28, s26, $0x38;
	[tilespmem:$0x10000] =	vst v63  }
0x262: {  	s4 =	sadd.s32 $0x9800, s0;
	s24 =	sadd.s32 $0x180, s1  }
0x263: {  	[hbm4b:s24+s26] =	stream.strided.scatter [tilespmem:s4], [sflag:$0x3], $0x400, s28, s26, $0x38;
	[tilespmem:$0x10000] =	vst v63  }
0x264: {  	s4 =	sadd.s32 $0x9C00, s0;
	s24 =	sadd.s32 $0x1C0, s1  }
0x265: {  	[hbm4b:s24+s26] =	stream.strided.scatter [tilespmem:s4], [sflag:$0x3], $0x400, s28, s26, $0x38;
	[tilespmem:$0x10000] =	vst v63  }
0x266: {  	s1 =	simm.s32 $0x8000  }
0x267: {  	[hbm4b:s21+s26] =	stream.strided.scatter [tilespmem:s1], [sflag:$0x3], $0x400, s28, s26, $0x38;
	[tilespmem:$0x10000] =	vst v63  }
0x268: {  	s3 =	sadd.s32 $0x40, s21;
	s2 =	simm.s32 $0x8400  }
0x269: {  	[hbm4b:s3+s26] =	stream.strided.scatter [tilespmem:s2], [sflag:$0x3], $0x400, s28, s26, $0x38;
	[tilespmem:$0x10000] =	vst v63  }
0x26a: {  	s4 =	simm.s32 $0x8800;
	s24 =	sadd.s32 $0x80, s21  }
0x26b: {  	[hbm4b:s24+s26] =	stream.strided.scatter [tilespmem:s4], [sflag:$0x3], $0x400, s28, s26, $0x38;
	[tilespmem:$0x10000] =	vst v63  }
0x26c: {  	s2 =	simm.s32 $0x8C00;
	s3 =	sadd.s32 $0xC0, s21  }
0x26d: {  	[hbm4b:s3+s26] =	stream.strided.scatter [tilespmem:s2], [sflag:$0x3], $0x400, s28, s26, $0x38;
	[tilespmem:$0x10000] =	vst v63  }
0x26e: {  	s4 =	simm.s32 $0x9000;
	s24 =	sadd.s32 $0x100, s21  }
0x26f: {  	[hbm4b:s24+s26] =	stream.strided.scatter [tilespmem:s4], [sflag:$0x3], $0x400, s28, s26, $0x38;
	[tilespmem:$0x10000] =	vst v63  }
0x270: {  	s0 =	simm.s32 $0x2000;
	s2 =	simm.s32 $0x9400;
	s3 =	sadd.s32 $0x140, s21  }
0x271: {  	[hbm4b:s3+s26] =	stream.strided.scatter [tilespmem:s2], [sflag:$0x3], $0x400, s28, s26, $0x38;
	[tilespmem:$0x10000] =	vst v63  }
0x272: {  	s1 =	sadd.s32 $0x2000, s21;
	s4 =	simm.s32 $0x9800;
	s24 =	sadd.s32 $0x180, s21  }
0x273: {  	[hbm4b:s24+s26] =	stream.strided.scatter [tilespmem:s4], [sflag:$0x3], $0x400, s28, s26, $0x38;
	[tilespmem:$0x10000] =	vst v63  }
0x274: {  	s2 =	simm.s32 $0x10000;
	s3 =	simm.s32 $0x9C00;
	s4 =	sadd.s32 $0x1C0, s21  }
.LBB2_30:
0x275: {  	[hbm4b:s4+s26] =	stream.strided.scatter [tilespmem:s3], [sflag:$0x3], $0x400, s28, s26, $0x38;
	[tilespmem:$0x10000] =	vst v63  }
0x276: {  	s3 =	smov.u32 s0;
	s0 =	smov.u32 s2  }
0x277: {  	s24 =	sadd.s32 $0x8000, s2;
	s0 =	sshra.s32 s0, $0x2;
	s4 =	sadd.s32 $0x8000, s3  }
0x278: {  	[hbm4b:s1+s26] =	stream.strided.scatter [tilespmem:s4], [sflag:$0x3], $0x400, s28, s26, $0x38;
	[tilespmem:$0x10000] =	vst v63  }
0x279: {  	p0 =	sne.s32 s2, $0x18000;
	s2 =	sadd.s32 $0x8400, s3;
	s4 =	sadd.s32 $0x40, s1  }
0x27a: {  	[hbm4b:s4+s26] =	stream.strided.scatter [tilespmem:s2], [sflag:$0x3], $0x400, s28, s26, $0x38;
	[tilespmem:$0x10000] =	vst v63  }
0x27b: {  	s2 =	sadd.s32 $0x8800, s3;
	s4 =	sadd.s32 $0x80, s1  }
0x27c: {  	[hbm4b:s4+s26] =	stream.strided.scatter [tilespmem:s2], [sflag:$0x3], $0x400, s28, s26, $0x38;
	[tilespmem:$0x10000] =	vst v63  }
0x27d: {  	s2 =	sadd.s32 $0x8C00, s3;
	s4 =	sadd.s32 $0xC0, s1  }
0x27e: {  	[hbm4b:s4+s26] =	stream.strided.scatter [tilespmem:s2], [sflag:$0x3], $0x400, s28, s26, $0x38;
	[tilespmem:$0x10000] =	vst v63  }
0x27f: {  	s2 =	sadd.s32 $0x9000, s3;
	s4 =	sadd.s32 $0x100, s1  }
0x280: {  	[hbm4b:s4+s26] =	stream.strided.scatter [tilespmem:s2], [sflag:$0x3], $0x400, s28, s26, $0x38;
	[tilespmem:$0x10000] =	vst v63  }
.Ltmp14:
0x281: {  	s2 =	sadd.s32 $0x9400, s3;
	s4 =	sadd.s32 $0x140, s1;
	(pc) =	sbr.rel @p0 .LBB2_30-.Ltmp14, $4  }
0x282: {  	[hbm4b:s4+s26] =	stream.strided.scatter [tilespmem:s2], [sflag:$0x3], $0x400, s28, s26, $0x38;
	[tilespmem:$0x10000] =	vst v63  }
0x283: {  	s2 =	sadd.s32 $0x9800, s3;
	s4 =	sadd.s32 $0x180, s1;
	s3 =	sadd.s32 $0x9C00, s3  }
0x284: {  	[hbm4b:s4+s26] =	stream.strided.scatter [tilespmem:s2], [sflag:$0x3], $0x400, s28, s26, $0x38;
	[tilespmem:$0x10000] =	vst v63  }
0x285: {  	s4 =	sadd.s32 $0x1C0, s1;
	s1 =	sadd.s32 $0x2000, s1;
	s2 =	smov.u32 s24  }
0x286: {  	[hbm4b:s4+s26] =	stream.strided.scatter [tilespmem:s3], [sflag:$0x3], $0x400, s28, s26, $0x38;
	[tilespmem:$0x10000] =	vst v63  }
0x287: {  	s2 =	sadd.s32 $0x8000, s0  }
0x288: {  	[hbm4b:s1+s26] =	stream.strided.scatter [tilespmem:s2], [sflag:$0x3], $0x400, s28, s26, $0x38;
	[tilespmem:$0x10000] =	vst v63  }
0x289: {  	s4 =	sadd.s32 $0x8400, s0;
	s24 =	sadd.s32 $0x40, s1  }
0x28a: {  	[hbm4b:s24+s26] =	stream.strided.scatter [tilespmem:s4], [sflag:$0x3], $0x400, s28, s26, $0x38;
	[tilespmem:$0x10000] =	vst v63  }
0x28b: {  	s4 =	sadd.s32 $0x8800, s0;
	s24 =	sadd.s32 $0x80, s1  }
0x28c: {  	[hbm4b:s24+s26] =	stream.strided.scatter [tilespmem:s4], [sflag:$0x3], $0x400, s28, s26, $0x38;
	[tilespmem:$0x10000] =	vst v63  }
0x28d: {  	s4 =	sadd.s32 $0x8C00, s0;
	s24 =	sadd.s32 $0xC0, s1  }
0x28e: {  	[hbm4b:s24+s26] =	stream.strided.scatter [tilespmem:s4], [sflag:$0x3], $0x400, s28, s26, $0x38;
	[tilespmem:$0x10000] =	vst v63  }
0x28f: {  	s4 =	sadd.s32 $0x9000, s0;
	s24 =	sadd.s32 $0x100, s1  }
0x290: {  	[hbm4b:s24+s26] =	stream.strided.scatter [tilespmem:s4], [sflag:$0x3], $0x400, s28, s26, $0x38;
	[tilespmem:$0x10000] =	vst v63  }
0x291: {  	s4 =	sadd.s32 $0x9400, s0;
	s24 =	sadd.s32 $0x140, s1  }
0x292: {  	[hbm4b:s24+s26] =	stream.strided.scatter [tilespmem:s4], [sflag:$0x3], $0x400, s28, s26, $0x38;
	[tilespmem:$0x10000] =	vst v63  }
0x293: {  	s4 =	sadd.s32 $0x9800, s0;
	s24 =	sadd.s32 $0x180, s1  }
0x294: {  	[hbm4b:s24+s26] =	stream.strided.scatter [tilespmem:s4], [sflag:$0x3], $0x400, s28, s26, $0x38;
	[tilespmem:$0x10000] =	vst v63  }
0x295: {  	s4 =	sadd.s32 $0x9C00, s0;
	s24 =	sadd.s32 $0x1C0, s1  }
0x296: {  	[hbm4b:s24+s26] =	stream.strided.scatter [tilespmem:s4], [sflag:$0x3], $0x400, s28, s26, $0x38;
	[tilespmem:$0x10000] =	vst v63  }
0x297: {  	s1 =	simm.s32 $0x8000  }
0x298: {  	[hbm4b:s22+s26] =	stream.strided.scatter [tilespmem:s1], [sflag:$0x3], $0x400, s28, s26, $0x38;
	[tilespmem:$0x10000] =	vst v63  }
0x299: {  	s3 =	sadd.s32 $0x40, s22;
	s2 =	simm.s32 $0x8400  }
0x29a: {  	[hbm4b:s3+s26] =	stream.strided.scatter [tilespmem:s2], [sflag:$0x3], $0x400, s28, s26, $0x38;
	[tilespmem:$0x10000] =	vst v63  }
0x29b: {  	s4 =	simm.s32 $0x8800;
	s24 =	sadd.s32 $0x80, s22  }
0x29c: {  	[hbm4b:s24+s26] =	stream.strided.scatter [tilespmem:s4], [sflag:$0x3], $0x400, s28, s26, $0x38;
	[tilespmem:$0x10000] =	vst v63  }
0x29d: {  	s2 =	simm.s32 $0x8C00;
	s3 =	sadd.s32 $0xC0, s22  }
0x29e: {  	[hbm4b:s3+s26] =	stream.strided.scatter [tilespmem:s2], [sflag:$0x3], $0x400, s28, s26, $0x38;
	[tilespmem:$0x10000] =	vst v63  }
0x29f: {  	s4 =	simm.s32 $0x9000;
	s24 =	sadd.s32 $0x100, s22  }
0x2a0: {  	[hbm4b:s24+s26] =	stream.strided.scatter [tilespmem:s4], [sflag:$0x3], $0x400, s28, s26, $0x38;
	[tilespmem:$0x10000] =	vst v63  }
0x2a1: {  	s0 =	simm.s32 $0x2000;
	s2 =	simm.s32 $0x9400;
	s3 =	sadd.s32 $0x140, s22  }
0x2a2: {  	[hbm4b:s3+s26] =	stream.strided.scatter [tilespmem:s2], [sflag:$0x3], $0x400, s28, s26, $0x38;
	[tilespmem:$0x10000] =	vst v63  }
0x2a3: {  	s1 =	sadd.s32 $0x2000, s22;
	s4 =	simm.s32 $0x9800;
	s24 =	sadd.s32 $0x180, s22  }
0x2a4: {  	[hbm4b:s24+s26] =	stream.strided.scatter [tilespmem:s4], [sflag:$0x3], $0x400, s28, s26, $0x38;
	[tilespmem:$0x10000] =	vst v63  }
0x2a5: {  	s2 =	simm.s32 $0x10000;
	s3 =	simm.s32 $0x9C00;
	s4 =	sadd.s32 $0x1C0, s22  }
.LBB2_32:
0x2a6: {  	[hbm4b:s4+s26] =	stream.strided.scatter [tilespmem:s3], [sflag:$0x3], $0x400, s28, s26, $0x38;
	[tilespmem:$0x10000] =	vst v63  }
0x2a7: {  	s3 =	smov.u32 s0;
	s0 =	smov.u32 s2  }
0x2a8: {  	s24 =	sadd.s32 $0x8000, s2;
	s0 =	sshra.s32 s0, $0x2;
	s4 =	sadd.s32 $0x8000, s3  }
0x2a9: {  	[hbm4b:s1+s26] =	stream.strided.scatter [tilespmem:s4], [sflag:$0x3], $0x400, s28, s26, $0x38;
	[tilespmem:$0x10000] =	vst v63  }
0x2aa: {  	p0 =	sne.s32 s2, $0x18000;
	s2 =	sadd.s32 $0x8400, s3;
	s4 =	sadd.s32 $0x40, s1  }
0x2ab: {  	[hbm4b:s4+s26] =	stream.strided.scatter [tilespmem:s2], [sflag:$0x3], $0x400, s28, s26, $0x38;
	[tilespmem:$0x10000] =	vst v63  }
0x2ac: {  	s2 =	sadd.s32 $0x8800, s3;
	s4 =	sadd.s32 $0x80, s1  }
0x2ad: {  	[hbm4b:s4+s26] =	stream.strided.scatter [tilespmem:s2], [sflag:$0x3], $0x400, s28, s26, $0x38;
	[tilespmem:$0x10000] =	vst v63  }
0x2ae: {  	s2 =	sadd.s32 $0x8C00, s3;
	s4 =	sadd.s32 $0xC0, s1  }
0x2af: {  	[hbm4b:s4+s26] =	stream.strided.scatter [tilespmem:s2], [sflag:$0x3], $0x400, s28, s26, $0x38;
	[tilespmem:$0x10000] =	vst v63  }
0x2b0: {  	s2 =	sadd.s32 $0x9000, s3;
	s4 =	sadd.s32 $0x100, s1  }
0x2b1: {  	[hbm4b:s4+s26] =	stream.strided.scatter [tilespmem:s2], [sflag:$0x3], $0x400, s28, s26, $0x38;
	[tilespmem:$0x10000] =	vst v63  }
.Ltmp15:
0x2b2: {  	s2 =	sadd.s32 $0x9400, s3;
	s4 =	sadd.s32 $0x140, s1;
	(pc) =	sbr.rel @p0 .LBB2_32-.Ltmp15, $4  }
0x2b3: {  	[hbm4b:s4+s26] =	stream.strided.scatter [tilespmem:s2], [sflag:$0x3], $0x400, s28, s26, $0x38;
	[tilespmem:$0x10000] =	vst v63  }
0x2b4: {  	s2 =	sadd.s32 $0x9800, s3;
	s4 =	sadd.s32 $0x180, s1;
	s3 =	sadd.s32 $0x9C00, s3  }
0x2b5: {  	[hbm4b:s4+s26] =	stream.strided.scatter [tilespmem:s2], [sflag:$0x3], $0x400, s28, s26, $0x38;
	[tilespmem:$0x10000] =	vst v63  }
0x2b6: {  	s4 =	sadd.s32 $0x1C0, s1;
	s1 =	sadd.s32 $0x2000, s1;
	s2 =	smov.u32 s24  }
0x2b7: {  	[hbm4b:s4+s26] =	stream.strided.scatter [tilespmem:s3], [sflag:$0x3], $0x400, s28, s26, $0x38;
	[tilespmem:$0x10000] =	vst v63  }
0x2b8: {  	s2 =	sadd.s32 $0x8000, s0  }
0x2b9: {  	[hbm4b:s1+s26] =	stream.strided.scatter [tilespmem:s2], [sflag:$0x3], $0x400, s28, s26, $0x38;
	[tilespmem:$0x10000] =	vst v63  }
0x2ba: {  	s4 =	sadd.s32 $0x8400, s0;
	s24 =	sadd.s32 $0x40, s1  }
0x2bb: {  	[hbm4b:s24+s26] =	stream.strided.scatter [tilespmem:s4], [sflag:$0x3], $0x400, s28, s26, $0x38;
	[tilespmem:$0x10000] =	vst v63  }
0x2bc: {  	s4 =	sadd.s32 $0x8800, s0;
	s24 =	sadd.s32 $0x80, s1  }
0x2bd: {  	[hbm4b:s24+s26] =	stream.strided.scatter [tilespmem:s4], [sflag:$0x3], $0x400, s28, s26, $0x38;
	[tilespmem:$0x10000] =	vst v63  }
0x2be: {  	s4 =	sadd.s32 $0x8C00, s0;
	s24 =	sadd.s32 $0xC0, s1  }
0x2bf: {  	[hbm4b:s24+s26] =	stream.strided.scatter [tilespmem:s4], [sflag:$0x3], $0x400, s28, s26, $0x38;
	[tilespmem:$0x10000] =	vst v63  }
0x2c0: {  	s4 =	sadd.s32 $0x9000, s0;
	s24 =	sadd.s32 $0x100, s1  }
0x2c1: {  	[hbm4b:s24+s26] =	stream.strided.scatter [tilespmem:s4], [sflag:$0x3], $0x400, s28, s26, $0x38;
	[tilespmem:$0x10000] =	vst v63  }
0x2c2: {  	s4 =	sadd.s32 $0x9400, s0;
	s24 =	sadd.s32 $0x140, s1  }
0x2c3: {  	[hbm4b:s24+s26] =	stream.strided.scatter [tilespmem:s4], [sflag:$0x3], $0x400, s28, s26, $0x38;
	[tilespmem:$0x10000] =	vst v63  }
0x2c4: {  	s4 =	sadd.s32 $0x9800, s0;
	s24 =	sadd.s32 $0x180, s1  }
0x2c5: {  	[hbm4b:s24+s26] =	stream.strided.scatter [tilespmem:s4], [sflag:$0x3], $0x400, s28, s26, $0x38;
	[tilespmem:$0x10000] =	vst v63  }
0x2c6: {  	s4 =	sadd.s32 $0x9C00, s0;
	s24 =	sadd.s32 $0x1C0, s1  }
0x2c7: {  	[hbm4b:s24+s26] =	stream.strided.scatter [tilespmem:s4], [sflag:$0x3], $0x400, s28, s26, $0x38;
	[tilespmem:$0x10000] =	vst v63  }
0x2c8: {  	_ =	swait.ge [sflag:s29], $0x8000  }
0x2c9: {  	[sflag:s29] =	ssyncset.done $0x0  }
0x2ca: {  	[sflag:s29] =	ssyncadd.s32 $0xFFFF8000  }
0x2cb: {  	_ =	swait.ge [sflag:s29], $0x8000  }
0x2cc: {  	[sflag:s29] =	ssyncset.done $0x0  }
0x2cd: {  	s31 =	sadd.s32 $0x1, s31;
	[sflag:s29] =	ssyncadd.s32 $0xFFFF8000  }
0x2ce: {  	p0 =	sne.s32 s31, s23;
	_ =	swait.ge [sflag:s29], $0x8000  }
.Ltmp16:
0x2cf: {  	[sflag:s29] =	ssyncset.done $0x0;
	(pc) =	sbr.rel @p0 .LBB2_1-.Ltmp16, $4  }
0x2d0: {  	[sflag:s29] =	ssyncadd.s32 $0xFFFF8000  }
0x2d1: {  	_ =	swait.ge [sflag:s29], $0x8000  }
0x2d2: {  	[sflag:s29] =	ssyncset.done $0x0  }
0x2d3: {  	[sflag:s29] =	ssyncadd.s32 $0xFFFF8000  }
0x2d4: {  	_ =	sfence.sel $0x180000  }
0x2d5: {  	[bflag:$0x0] =	sbarrier.arrive $0xFFFF  }
0x2d6: {  	_ =	strace $0x90000047  }
0x2d7: {  	s0 =	stileid.u32;
	[bflag:$0x2] =	sbarrier.arrive $0xFFFF  }
0x2d8: {  	p0 =	sne.s32 s0, $0x0;
	s0 =	rddreg [dreg:$0x2]  }
0x2d9: {  	s0 =	sadd.s32 @!p0 $0x100000, s0  }
0x2da: {  	[sflag:s0] =	ssyncadd.tile.s32 @!p0 $0x1;
	_ =	shalt  }
.Lfunc_end2:
_tile_overlayer_lowered:
.L_overlay_start_2:
0x2db: {  	(tag) =	ssettag $0x2  }
0x2dc: {  	s0 =	rddreg [dreg:$0x0];
	s2 =	stileid.u32  }
0x2dd: {  	s1 =	rddreg [dreg:$0x1];
	p0 =	sne.s32 s2, $0x0  }
0x2de: {  	s3 =	rddreg [dreg:$0x2];
	[bflag:$0x3] =	sbarrier.arrive $0xFFFF;
	s2 =	simm.s32 @!p0 $0x1C04  }
0x2df: {  	[timem:s3], [sflag:s2] =	dma.local @!p0 [hbm:s0], s1  }
0x2e0: {  	s0 =	simm.s32 @!p0 $0x4  }
0x2e1: {  	_ =	swait.ge @!p0 [sflag:s0], s1  }
0x2e2: {  	s1 =	ssub.s32 @!p0 $0x0, s1;
	[sflag:s0] =	ssyncset.done @!p0 $0x0  }
0x2e3: {  	[sflag:s0] =	ssyncadd.s32 @!p0 s1  }
0x2e4: {  	[bflag:$0x3] =	sbarrier.arrive $0xFFFF  }
0x2e5: {  	_ =	shalt  }

</sc_bundles>
